<compile_context>
chip_gen: v7x
topology: tpu7x:2x2x1
jax: 0.10.2.dev20260603
libtpu: 0.0.44.dev20260713+nightly
codegen_flags: <defaults>
</compile_context>

<pallas_src>
import functools

import jax
import jax.numpy as jnp
from jax import lax
from jax.experimental import pallas as pl
from jax.experimental.pallas import tpu as pltpu
from jax.experimental.pallas import tpu_sc as plsc

NQ = 1024
D = 32
L = 100000
K = 8
KB = 32
NBLK = L // KB
TILE = 4000
NT = L // TILE
BPT = TILE // KB
NQC = 256
RC = 128
NW = 32

_NEG = float("-inf")
_IMAX = 2147483647


def _stage_a(q_ref, wqt_ref, bq_ref, keys_ref, qp_out, ids_out, qp_sc, bm_sc):
    t = pl.program_id(0)

    @pl.when(t == 0)
    def _():
        qp = jnp.dot(q_ref[...], wqt_ref[...],
                     preferred_element_type=jnp.float32) + bq_ref[...]
        qp_sc[...] = qp
        qp_out[...] = qp

    scores = lax.dot_general(keys_ref[...], qp_sc[...],
                             (((1,), (1,)), ((), ())),
                             preferred_element_type=jnp.float32)
    bm_sc[t] = jnp.max(scores.reshape(BPT, KB, NQ), axis=1)

    @pl.when(t == NT - 1)
    def _():
        for c in range(NQ // NQC):
            bm = bm_sc[:, :, c * NQC:(c + 1) * NQC]
            i0 = lax.broadcasted_iota(jnp.int32, (NT, BPT, NQC), 0)
            i1 = lax.broadcasted_iota(jnp.int32, (NT, BPT, NQC), 1)
            biota = i0 * BPT + i1
            ids = []
            for _ in range(K):
                m = jnp.max(bm, axis=(0, 1))
                sel = jnp.where(bm == m[None, None, :], biota, jnp.int32(NBLK))
                idx = jnp.min(sel, axis=(0, 1))
                ids.append(idx)
                bm = jnp.where(biota == idx[None, None, :], _NEG, bm)
            ids_out[:, c * NQC:(c + 1) * NQC] = jnp.stack(ids, axis=0)


def _stage_c(gk_ref, qpe_ref, bid_ref, w_ref, ti_ref):
    G = gk_ref[...]
    qpe = qpe_ref[...]
    di = lax.broadcasted_iota(jnp.int32, (D, KB * D), 0)
    ci = lax.broadcasted_iota(jnp.int32, (D, KB * D), 1)
    E = (ci % D == di).astype(jnp.float32)
    prod = G * jnp.dot(qpe, E, preferred_element_type=jnp.float32)
    ui = lax.broadcasted_iota(jnp.int32, (KB * D, KB), 0)
    uj = lax.broadcasted_iota(jnp.int32, (KB * D, KB), 1)
    M = (ui // D == uj).astype(jnp.float32)
    cand = jnp.dot(prod, M,
                   preferred_element_type=jnp.float32).reshape(RC, K, KB)
    bid = bid_ref[...]
    gidx = bid[:, :, None] * KB + lax.broadcasted_iota(
        jnp.int32, (RC, K, KB), 2)
    vals, idxs = [], []
    for _ in range(K):
        m = jnp.max(cand, axis=(1, 2), keepdims=True)
        sel = jnp.where(cand == m, gidx, _IMAX)
        ix = jnp.min(sel, axis=(1, 2), keepdims=True)
        vals.append(m[:, 0])
        idxs.append(ix[:, 0])
        cand = jnp.where(gidx == ix, _NEG, cand)
    v = jnp.concatenate(vals, axis=1)
    e = jnp.exp(v - v[:, 0:1])
    w_ref[...] = e / jnp.sum(e, axis=1, keepdims=True)
    ti_ref[...] = jnp.concatenate(idxs, axis=1)


def _stage_d(gv_ref, w_ref, ti_ref, q_ref, wot_ref, bo_ref, out_ref):
    gv = gv_ref[...]
    w = w_ref[...]
    sub = ti_ref[...] % 4
    sel = (lax.broadcasted_iota(jnp.int32, (NQ, K, 4), 2)
           == sub[:, :, None]).astype(jnp.float32)
    mo = jnp.sum(gv * (sel * w[:, :, None])[..., None], axis=(1, 2))
    out_ref[...] = (jnp.dot(mo, wot_ref[...],
                            preferred_element_type=jnp.float32)
                    + bo_ref[...] + q_ref[...])


def _make_sc_gather(n_rows, d_row, n_idx, chunk):
    per_w = n_idx // NW
    n_chunks = per_w // chunk
    mesh = plsc.VectorSubcoreMesh(core_axis_name="c", subcore_axis_name="s")

    @functools.partial(
        pl.kernel,
        out_type=jax.ShapeDtypeStruct((n_idx, d_row), jnp.float32),
        mesh=mesh,
        scratch_types=[
            pltpu.VMEM((chunk,), jnp.int32),
            pltpu.VMEM((chunk, d_row), jnp.float32),
            pltpu.SemaphoreType.DMA,
        ],
    )
    def gather(table_hbm, idx_hbm, out_hbm, idx_v, rows_v, sem):
        wid = lax.axis_index("s") * 2 + lax.axis_index("c")
        for c in range(n_chunks):
            base = wid * per_w + c * chunk
            pltpu.sync_copy(idx_hbm.at[pl.ds(base, chunk)], idx_v)
            pltpu.async_copy(table_hbm.at[idx_v], rows_v, sem).wait()
            pltpu.sync_copy(rows_v, out_hbm.at[pl.ds(base, chunk)])

    return gather


def kernel(query, memory_keys, memory_values, Wq, bq, Wo, bo):
    b, s, _ = query.shape
    qf = query.reshape(NQ, D)
    key_blocks = memory_keys.reshape(NBLK, KB * D)

    qp, ids = pl.pallas_call(
        _stage_a,
        grid=(NT,),
        in_specs=[
            pl.BlockSpec((NQ, D), lambda t: (0, 0)),
            pl.BlockSpec((D, D), lambda t: (0, 0)),
            pl.BlockSpec((1, D), lambda t: (0, 0)),
            pl.BlockSpec((TILE, D), lambda t: (t, 0)),
        ],
        out_specs=[
            pl.BlockSpec((NQ, D), lambda t: (0, 0)),
            pl.BlockSpec((K, NQ), lambda t: (0, 0)),
        ],
        out_shape=[
            jax.ShapeDtypeStruct((NQ, D), jnp.float32),
            jax.ShapeDtypeStruct((K, NQ), jnp.int32),
        ],
        scratch_shapes=[pltpu.VMEM((NQ, D), jnp.float32),
                        pltpu.VMEM((NT, BPT, NQ), jnp.float32)],
    )(qf, Wq.T, bq.reshape(1, D), memory_keys)

    bid = ids.T
    gk = _make_sc_gather(NBLK, KB * D, NQ * K, 64)(
        key_blocks, bid.reshape(NQ * K))

    w, ti = pl.pallas_call(
        _stage_c,
        grid=(NQ // RC,),
        in_specs=[
            pl.BlockSpec((RC * K, KB * D), lambda c: (c, 0)),
            pl.BlockSpec((RC * K, D), lambda c: (c, 0)),
            pl.BlockSpec((RC, K), lambda c: (c, 0)),
        ],
        out_specs=[
            pl.BlockSpec((RC, K), lambda c: (c, 0)),
            pl.BlockSpec((RC, K), lambda c: (c, 0)),
        ],
        out_shape=[
            jax.ShapeDtypeStruct((NQ, K), jnp.float32),
            jax.ShapeDtypeStruct((NQ, K), jnp.int32),
        ],
    )(gk, jnp.repeat(qp, K, axis=0), bid)

    gv = _make_sc_gather(L // 4, 4 * D, NQ * K, 64)(
        memory_values.reshape(L // 4, 4 * D), (ti // 4).reshape(NQ * K))

    out = pl.pallas_call(
        _stage_d,
        in_specs=[
            pl.BlockSpec((NQ, K, 4, D), lambda: (0, 0, 0, 0)),
            pl.BlockSpec((NQ, K), lambda: (0, 0)),
            pl.BlockSpec((NQ, K), lambda: (0, 0)),
            pl.BlockSpec((NQ, D), lambda: (0, 0)),
            pl.BlockSpec((D, D), lambda: (0, 0)),
            pl.BlockSpec((1, D), lambda: (0, 0)),
        ],
        out_specs=pl.BlockSpec((NQ, D), lambda: (0, 0)),
        out_shape=jax.ShapeDtypeStruct((NQ, D), jnp.float32),
    )(gv.reshape(NQ, K, 4, D), w, ti, qf, Wo.T, bo.reshape(1, D))

    return out.reshape(b, s, D)

# --- scband reference (transcript-rebuilt; emitter-appended) ---
"""Pipeline reference for scband-temporal-memory-network-31250182045986 (READ-ONLY COPY).

The authoritative reference and input builder live on the scoring server;
editing this copy changes nothing except your own understanding.
"""

import jax, jax.numpy as jnp
import numpy as np

B, S, IN_DIM = 16, 64, 32
MEM_DIM = 32
MEM_SIZE = 100000
TOPK = 8


def setup_inputs(seed: int = 0) -> dict:
    key = jax.random.key(seed)
    ks = jax.random.split(key, 8)
    query = jax.random.normal(ks[0], (B, S, IN_DIM), dtype=jnp.float32)
    memory_keys = jax.random.normal(ks[1], (MEM_SIZE, MEM_DIM), dtype=jnp.float32)
    memory_values = jax.random.normal(ks[2], (MEM_SIZE, MEM_DIM), dtype=jnp.float32)
    # nn.Linear(input_dim, memory_dim): weight [memory_dim, input_dim], bias [memory_dim]
    Wq = jax.random.normal(ks[3], (MEM_DIM, IN_DIM), dtype=jnp.float32) * (1.0 / np.sqrt(IN_DIM))
    bq = jax.random.normal(ks[4], (MEM_DIM,), dtype=jnp.float32) * (1.0 / np.sqrt(IN_DIM))
    # nn.Linear(memory_dim, input_dim): weight [input_dim, memory_dim], bias [input_dim]
    Wo = jax.random.normal(ks[5], (IN_DIM, MEM_DIM), dtype=jnp.float32) * (1.0 / np.sqrt(MEM_DIM))
    bo = jax.random.normal(ks[6], (IN_DIM,), dtype=jnp.float32) * (1.0 / np.sqrt(MEM_DIM))
    return {
        "query": query,
        "memory_keys": memory_keys,
        "memory_values": memory_values,
        "Wq": Wq,
        "bq": bq,
        "Wo": Wo,
        "bo": bo,
    }


def reference(query, memory_keys, memory_values, Wq, bq, Wo, bo):
    b, s, _ = query.shape
    # query_projection
    query_proj = jnp.einsum('bsi,mi->bsm', query, Wq) + bq  # [B, S, mem_dim]
    query_flat = query_proj.reshape(b * s, MEM_DIM)  # [N, mem_dim]
    # attention scores against all memory keys: [N, memory_size]
    attention = query_flat @ memory_keys.T
    # top-k retrieval
    topk_weights, topk_indices = jax.lax.top_k(attention, TOPK)  # [N, k]
    topk_weights = jax.nn.softmax(topk_weights, axis=1)
    # gather top-k memory values: [N, k, mem_dim]
    top_memory_values = jnp.take(memory_values, topk_indices, axis=0)
    weighted_values = top_memory_values * topk_weights[..., None]
    memory_output = weighted_values.sum(axis=1)  # [N, mem_dim]
    memory_output = memory_output.reshape(b, s, MEM_DIM)
    # output_projection
    output = jnp.einsum('bsm,im->bsi', memory_output, Wo) + bo
    return output + query

if __name__ == "__main__":
    import jax
    _d = setup_inputs()
    print(jax.jit(kernel)(*tuple(_d.values())))

</pallas_src>

<mosaic_0001>
#map = affine_map<(d0, d1) -> (0, 0)>
#map1 = affine_map<(d0, d1) -> (0)>
module attributes {stable_mosaic.version = 14 : i64} {
  func.func @gather(%arg0: i32, %arg1: i32, %arg2: memref<3125x1024xf32, #tpu.memory_space<hbm>>, %arg3: memref<8192xi32, #tpu.memory_space<hbm>>, %arg4: memref<8192x1024xf32, #tpu.memory_space<hbm>>, %arg5: memref<64xi32, #tpu.memory_space<vmem>>, %arg6: memref<64x1024xf32, #tpu.memory_space<vmem>>, %arg7: memref<!tpu.dma_semaphore, #tpu.memory_space<semaphore_mem>>) attributes {dimension_semantics = [#tpu.dimension_semantics<core_parallel>, #tpu.dimension_semantics<subcore_parallel>], iteration_bounds = array<i64: 2, 16>, scalar_prefetch = 0 : i64, scratch_operands = 3 : i64, tpu.core_type = #tpu.core_type<sc_vector_subcore>, window_params = [{transform_indices = #map}, {transform_indices = #map1}, {transform_indices = #map}]} {
    %mul3A = arith.constant 2 : i32
    %mul3A_0 = arith.muli %arg1, %mul3A : i32
    %add3A = arith.addi %mul3A_0, %arg0 : i32
    %mul3A_1 = arith.constant 256 : i32
    %mul3A_2 = arith.muli %add3A, %mul3A_1 : i32
    %add3A_3 = arith.constant 0 : i32
    %add3A_4 = arith.addi %mul3A_2, %add3A_3 : i32
    "tpu.region"() ({
      %run_scoped3A = tpu.sem_alloc : memref<!tpu.dma_semaphore, #tpu.memory_space<semaphore_mem>>
      %dma_start3A_39 = tpu.memref_slice %arg3[%add3A_4] : memref<8192xi32, #tpu.memory_space<hbm>> -> memref<64xi32, #tpu.memory_space<hbm>>
      %dma_start3A_40 = tpu.memref_slice %arg3[%add3A_4] : memref<8192xi32, #tpu.memory_space<hbm>> -> memref<64xi32, #tpu.memory_space<hbm>>
      tpu.enqueue_dma source(%dma_start3A_40 : memref<64xi32, #tpu.memory_space<hbm>>) target(%arg5 : memref<64xi32, #tpu.memory_space<vmem>>) target_semaphore(%run_scoped3A : memref<!tpu.dma_semaphore, #tpu.memory_space<semaphore_mem>>)
      %dma_wait3A_41 = tpu.memref_slice %arg3[%add3A_4] : memref<8192xi32, #tpu.memory_space<hbm>> -> memref<64xi32, #tpu.memory_space<hbm>>
      %dma_wait3A_42 = tpu.memref_slice %arg3[%add3A_4] : memref<8192xi32, #tpu.memory_space<hbm>> -> memref<64xi32, #tpu.memory_space<hbm>>
      tpu.wait_dma2 semaphore(%run_scoped3A : memref<!tpu.dma_semaphore, #tpu.memory_space<semaphore_mem>>) src(%dma_wait3A_42 : memref<64xi32, #tpu.memory_space<hbm>>) dst(%arg5 : memref<64xi32, #tpu.memory_space<vmem>>)
      tpu.yield
    }) : () -> ()
    %dma_start3A = arith.constant 0 : i32
    %dma_start3A_5 = arith.constant 0 : i32
    %dma_start3A_6 = tpu.memref_slice %arg2[%dma_start3A, %dma_start3A_5] : memref<3125x1024xf32, #tpu.memory_space<hbm>> -> memref<3125x1024xf32, #tpu.memory_space<hbm>>
    tpu.enqueue_indirect_dma source(%dma_start3A_6 : memref<3125x1024xf32, #tpu.memory_space<hbm>>) target(%arg6 : memref<64x1024xf32, #tpu.memory_space<vmem>>) offsets(%arg5 : memref<64xi32, #tpu.memory_space<vmem>>) semaphore(%arg7 : memref<!tpu.dma_semaphore, #tpu.memory_space<semaphore_mem>>)
    %dma_wait3A = arith.constant 0 : i32
    %dma_wait3A_7 = arith.constant 0 : i32
    %dma_wait3A_8 = tpu.memref_slice %arg2[%dma_wait3A, %dma_wait3A_7] : memref<3125x1024xf32, #tpu.memory_space<hbm>> -> memref<3125x1024xf32, #tpu.memory_space<hbm>>
    tpu.wait_indirect_dma semaphore(%arg7 : memref<!tpu.dma_semaphore, #tpu.memory_space<semaphore_mem>>) src(%dma_wait3A_8 : memref<3125x1024xf32, #tpu.memory_space<hbm>>) dst(%arg6 : memref<64x1024xf32, #tpu.memory_space<vmem>>)
    "tpu.region"() ({
      %run_scoped3A = tpu.sem_alloc : memref<!tpu.dma_semaphore, #tpu.memory_space<semaphore_mem>>
      %dma_start3A_39 = arith.constant 0 : i32
      %dma_start3A_40 = tpu.memref_slice %arg4[%add3A_4, %dma_start3A_39] : memref<8192x1024xf32, #tpu.memory_space<hbm>> -> memref<64x1024xf32, #tpu.memory_space<hbm>>
      %dma_start3A_41 = arith.constant 0 : i32
      %dma_start3A_42 = tpu.memref_slice %arg4[%add3A_4, %dma_start3A_41] : memref<8192x1024xf32, #tpu.memory_space<hbm>> -> memref<64x1024xf32, #tpu.memory_space<hbm>>
      tpu.enqueue_dma source(%arg6 : memref<64x1024xf32, #tpu.memory_space<vmem>>) target(%dma_start3A_42 : memref<64x1024xf32, #tpu.memory_space<hbm>>) target_semaphore(%run_scoped3A : memref<!tpu.dma_semaphore, #tpu.memory_space<semaphore_mem>>)
      %dma_wait3A_43 = arith.constant 0 : i32
      %dma_wait3A_44 = tpu.memref_slice %arg4[%add3A_4, %dma_wait3A_43] : memref<8192x1024xf32, #tpu.memory_space<hbm>> -> memref<64x1024xf32, #tpu.memory_space<hbm>>
      %dma_wait3A_45 = arith.constant 0 : i32
      %dma_wait3A_46 = tpu.memref_slice %arg4[%add3A_4, %dma_wait3A_45] : memref<8192x1024xf32, #tpu.memory_space<hbm>> -> memref<64x1024xf32, #tpu.memory_space<hbm>>
      tpu.wait_dma2 semaphore(%run_scoped3A : memref<!tpu.dma_semaphore, #tpu.memory_space<semaphore_mem>>) src(%arg6 : memref<64x1024xf32, #tpu.memory_space<vmem>>) dst(%dma_wait3A_46 : memref<64x1024xf32, #tpu.memory_space<hbm>>)
      tpu.yield
    }) : () -> ()
    %mul3A_9 = arith.constant 256 : i32
    %mul3A_10 = arith.muli %add3A, %mul3A_9 : i32
    %add3A_11 = arith.constant 64 : i32
    %add3A_12 = arith.addi %mul3A_10, %add3A_11 : i32
    "tpu.region"() ({
      %run_scoped3A = tpu.sem_alloc : memref<!tpu.dma_semaphore, #tpu.memory_space<semaphore_mem>>
      %dma_start3A_39 = tpu.memref_slice %arg3[%add3A_12] : memref<8192xi32, #tpu.memory_space<hbm>> -> memref<64xi32, #tpu.memory_space<hbm>>
      %dma_start3A_40 = tpu.memref_slice %arg3[%add3A_12] : memref<8192xi32, #tpu.memory_space<hbm>> -> memref<64xi32, #tpu.memory_space<hbm>>
      tpu.enqueue_dma source(%dma_start3A_40 : memref<64xi32, #tpu.memory_space<hbm>>) target(%arg5 : memref<64xi32, #tpu.memory_space<vmem>>) target_semaphore(%run_scoped3A : memref<!tpu.dma_semaphore, #tpu.memory_space<semaphore_mem>>)
      %dma_wait3A_41 = tpu.memref_slice %arg3[%add3A_12] : memref<8192xi32, #tpu.memory_space<hbm>> -> memref<64xi32, #tpu.memory_space<hbm>>
      %dma_wait3A_42 = tpu.memref_slice %arg3[%add3A_12] : memref<8192xi32, #tpu.memory_space<hbm>> -> memref<64xi32, #tpu.memory_space<hbm>>
      tpu.wait_dma2 semaphore(%run_scoped3A : memref<!tpu.dma_semaphore, #tpu.memory_space<semaphore_mem>>) src(%dma_wait3A_42 : memref<64xi32, #tpu.memory_space<hbm>>) dst(%arg5 : memref<64xi32, #tpu.memory_space<vmem>>)
      tpu.yield
    }) : () -> ()
    %dma_start3A_13 = arith.constant 0 : i32
    %dma_start3A_14 = arith.constant 0 : i32
    %dma_start3A_15 = tpu.memref_slice %arg2[%dma_start3A_13, %dma_start3A_14] : memref<3125x1024xf32, #tpu.memory_space<hbm>> -> memref<3125x1024xf32, #tpu.memory_space<hbm>>
    tpu.enqueue_indirect_dma source(%dma_start3A_15 : memref<3125x1024xf32, #tpu.memory_space<hbm>>) target(%arg6 : memref<64x1024xf32, #tpu.memory_space<vmem>>) offsets(%arg5 : memref<64xi32, #tpu.memory_space<vmem>>) semaphore(%arg7 : memref<!tpu.dma_semaphore, #tpu.memory_space<semaphore_mem>>)
    %dma_wait3A_16 = arith.constant 0 : i32
    %dma_wait3A_17 = arith.constant 0 : i32
    %dma_wait3A_18 = tpu.memref_slice %arg2[%dma_wait3A_16, %dma_wait3A_17] : memref<3125x1024xf32, #tpu.memory_space<hbm>> -> memref<3125x1024xf32, #tpu.memory_space<hbm>>
    tpu.wait_indirect_dma semaphore(%arg7 : memref<!tpu.dma_semaphore, #tpu.memory_space<semaphore_mem>>) src(%dma_wait3A_18 : memref<3125x1024xf32, #tpu.memory_space<hbm>>) dst(%arg6 : memref<64x1024xf32, #tpu.memory_space<vmem>>)
    "tpu.region"() ({
      %run_scoped3A = tpu.sem_alloc : memref<!tpu.dma_semaphore, #tpu.memory_space<semaphore_mem>>
      %dma_start3A_39 = arith.constant 0 : i32
      %dma_start3A_40 = tpu.memref_slice %arg4[%add3A_12, %dma_start3A_39] : memref<8192x1024xf32, #tpu.memory_space<hbm>> -> memref<64x1024xf32, #tpu.memory_space<hbm>>
      %dma_start3A_41 = arith.constant 0 : i32
      %dma_start3A_42 = tpu.memref_slice %arg4[%add3A_12, %dma_start3A_41] : memref<8192x1024xf32, #tpu.memory_space<hbm>> -> memref<64x1024xf32, #tpu.memory_space<hbm>>
      tpu.enqueue_dma source(%arg6 : memref<64x1024xf32, #tpu.memory_space<vmem>>) target(%dma_start3A_42 : memref<64x1024xf32, #tpu.memory_space<hbm>>) target_semaphore(%run_scoped3A : memref<!tpu.dma_semaphore, #tpu.memory_space<semaphore_mem>>)
      %dma_wait3A_43 = arith.constant 0 : i32
      %dma_wait3A_44 = tpu.memref_slice %arg4[%add3A_12, %dma_wait3A_43] : memref<8192x1024xf32, #tpu.memory_space<hbm>> -> memref<64x1024xf32, #tpu.memory_space<hbm>>
      %dma_wait3A_45 = arith.constant 0 : i32
      %dma_wait3A_46 = tpu.memref_slice %arg4[%add3A_12, %dma_wait3A_45] : memref<8192x1024xf32, #tpu.memory_space<hbm>> -> memref<64x1024xf32, #tpu.memory_space<hbm>>
      tpu.wait_dma2 semaphore(%run_scoped3A : memref<!tpu.dma_semaphore, #tpu.memory_space<semaphore_mem>>) src(%arg6 : memref<64x1024xf32, #tpu.memory_space<vmem>>) dst(%dma_wait3A_46 : memref<64x1024xf32, #tpu.memory_space<hbm>>)
      tpu.yield
    }) : () -> ()
    %mul3A_19 = arith.constant 256 : i32
    %mul3A_20 = arith.muli %add3A, %mul3A_19 : i32
    %add3A_21 = arith.constant 128 : i32
    %add3A_22 = arith.addi %mul3A_20, %add3A_21 : i32
    "tpu.region"() ({
      %run_scoped3A = tpu.sem_alloc : memref<!tpu.dma_semaphore, #tpu.memory_space<semaphore_mem>>
      %dma_start3A_39 = tpu.memref_slice %arg3[%add3A_22] : memref<8192xi32, #tpu.memory_space<hbm>> -> memref<64xi32, #tpu.memory_space<hbm>>
      %dma_start3A_40 = tpu.memref_slice %arg3[%add3A_22] : memref<8192xi32, #tpu.memory_space<hbm>> -> memref<64xi32, #tpu.memory_space<hbm>>
      tpu.enqueue_dma source(%dma_start3A_40 : memref<64xi32, #tpu.memory_space<hbm>>) target(%arg5 : memref<64xi32, #tpu.memory_space<vmem>>) target_semaphore(%run_scoped3A : memref<!tpu.dma_semaphore, #tpu.memory_space<semaphore_mem>>)
      %dma_wait3A_41 = tpu.memref_slice %arg3[%add3A_22] : memref<8192xi32, #tpu.memory_space<hbm>> -> memref<64xi32, #tpu.memory_space<hbm>>
      %dma_wait3A_42 = tpu.memref_slice %arg3[%add3A_22] : memref<8192xi32, #tpu.memory_space<hbm>> -> memref<64xi32, #tpu.memory_space<hbm>>
      tpu.wait_dma2 semaphore(%run_scoped3A : memref<!tpu.dma_semaphore, #tpu.memory_space<semaphore_mem>>) src(%dma_wait3A_42 : memref<64xi32, #tpu.memory_space<hbm>>) dst(%arg5 : memref<64xi32, #tpu.memory_space<vmem>>)
      tpu.yield
    }) : () -> ()
    %dma_start3A_23 = arith.constant 0 : i32
    %dma_start3A_24 = arith.constant 0 : i32
    %dma_start3A_25 = tpu.memref_slice %arg2[%dma_start3A_23, %dma_start3A_24] : memref<3125x1024xf32, #tpu.memory_space<hbm>> -> memref<3125x1024xf32, #tpu.memory_space<hbm>>
    tpu.enqueue_indirect_dma source(%dma_start3A_25 : memref<3125x1024xf32, #tpu.memory_space<hbm>>) target(%arg6 : memref<64x1024xf32, #tpu.memory_space<vmem>>) offsets(%arg5 : memref<64xi32, #tpu.memory_space<vmem>>) semaphore(%arg7 : memref<!tpu.dma_semaphore, #tpu.memory_space<semaphore_mem>>)
    %dma_wait3A_26 = arith.constant 0 : i32
    %dma_wait3A_27 = arith.constant 0 : i32
    %dma_wait3A_28 = tpu.memref_slice %arg2[%dma_wait3A_26, %dma_wait3A_27] : memref<3125x1024xf32, #tpu.memory_space<hbm>> -> memref<3125x1024xf32, #tpu.memory_space<hbm>>
    tpu.wait_indirect_dma semaphore(%arg7 : memref<!tpu.dma_semaphore, #tpu.memory_space<semaphore_mem>>) src(%dma_wait3A_28 : memref<3125x1024xf32, #tpu.memory_space<hbm>>) dst(%arg6 : memref<64x1024xf32, #tpu.memory_space<vmem>>)
    "tpu.region"() ({
      %run_scoped3A = tpu.sem_alloc : memref<!tpu.dma_semaphore, #tpu.memory_space<semaphore_mem>>
      %dma_start3A_39 = arith.constant 0 : i32
      %dma_start3A_40 = tpu.memref_slice %arg4[%add3A_22, %dma_start3A_39] : memref<8192x1024xf32, #tpu.memory_space<hbm>> -> memref<64x1024xf32, #tpu.memory_space<hbm>>
      %dma_start3A_41 = arith.constant 0 : i32
      %dma_start3A_42 = tpu.memref_slice %arg4[%add3A_22, %dma_start3A_41] : memref<8192x1024xf32, #tpu.memory_space<hbm>> -> memref<64x1024xf32, #tpu.memory_space<hbm>>
      tpu.enqueue_dma source(%arg6 : memref<64x1024xf32, #tpu.memory_space<vmem>>) target(%dma_start3A_42 : memref<64x1024xf32, #tpu.memory_space<hbm>>) target_semaphore(%run_scoped3A : memref<!tpu.dma_semaphore, #tpu.memory_space<semaphore_mem>>)
      %dma_wait3A_43 = arith.constant 0 : i32
      %dma_wait3A_44 = tpu.memref_slice %arg4[%add3A_22, %dma_wait3A_43] : memref<8192x1024xf32, #tpu.memory_space<hbm>> -> memref<64x1024xf32, #tpu.memory_space<hbm>>
      %dma_wait3A_45 = arith.constant 0 : i32
      %dma_wait3A_46 = tpu.memref_slice %arg4[%add3A_22, %dma_wait3A_45] : memref<8192x1024xf32, #tpu.memory_space<hbm>> -> memref<64x1024xf32, #tpu.memory_space<hbm>>
      tpu.wait_dma2 semaphore(%run_scoped3A : memref<!tpu.dma_semaphore, #tpu.memory_space<semaphore_mem>>) src(%arg6 : memref<64x1024xf32, #tpu.memory_space<vmem>>) dst(%dma_wait3A_46 : memref<64x1024xf32, #tpu.memory_space<hbm>>)
      tpu.yield
    }) : () -> ()
    %mul3A_29 = arith.constant 256 : i32
    %mul3A_30 = arith.muli %add3A, %mul3A_29 : i32
    %add3A_31 = arith.constant 192 : i32
    %add3A_32 = arith.addi %mul3A_30, %add3A_31 : i32
    "tpu.region"() ({
      %run_scoped3A = tpu.sem_alloc : memref<!tpu.dma_semaphore, #tpu.memory_space<semaphore_mem>>
      %dma_start3A_39 = tpu.memref_slice %arg3[%add3A_32] : memref<8192xi32, #tpu.memory_space<hbm>> -> memref<64xi32, #tpu.memory_space<hbm>>
      %dma_start3A_40 = tpu.memref_slice %arg3[%add3A_32] : memref<8192xi32, #tpu.memory_space<hbm>> -> memref<64xi32, #tpu.memory_space<hbm>>
      tpu.enqueue_dma source(%dma_start3A_40 : memref<64xi32, #tpu.memory_space<hbm>>) target(%arg5 : memref<64xi32, #tpu.memory_space<vmem>>) target_semaphore(%run_scoped3A : memref<!tpu.dma_semaphore, #tpu.memory_space<semaphore_mem>>)
      %dma_wait3A_41 = tpu.memref_slice %arg3[%add3A_32] : memref<8192xi32, #tpu.memory_space<hbm>> -> memref<64xi32, #tpu.memory_space<hbm>>
      %dma_wait3A_42 = tpu.memref_slice %arg3[%add3A_32] : memref<8192xi32, #tpu.memory_space<hbm>> -> memref<64xi32, #tpu.memory_space<hbm>>
      tpu.wait_dma2 semaphore(%run_scoped3A : memref<!tpu.dma_semaphore, #tpu.memory_space<semaphore_mem>>) src(%dma_wait3A_42 : memref<64xi32, #tpu.memory_space<hbm>>) dst(%arg5 : memref<64xi32, #tpu.memory_space<vmem>>)
      tpu.yield
    }) : () -> ()
    %dma_start3A_33 = arith.constant 0 : i32
    %dma_start3A_34 = arith.constant 0 : i32
    %dma_start3A_35 = tpu.memref_slice %arg2[%dma_start3A_33, %dma_start3A_34] : memref<3125x1024xf32, #tpu.memory_space<hbm>> -> memref<3125x1024xf32, #tpu.memory_space<hbm>>
    tpu.enqueue_indirect_dma source(%dma_start3A_35 : memref<3125x1024xf32, #tpu.memory_space<hbm>>) target(%arg6 : memref<64x1024xf32, #tpu.memory_space<vmem>>) offsets(%arg5 : memref<64xi32, #tpu.memory_space<vmem>>) semaphore(%arg7 : memref<!tpu.dma_semaphore, #tpu.memory_space<semaphore_mem>>)
    %dma_wait3A_36 = arith.constant 0 : i32
    %dma_wait3A_37 = arith.constant 0 : i32
    %dma_wait3A_38 = tpu.memref_slice %arg2[%dma_wait3A_36, %dma_wait3A_37] : memref<3125x1024xf32, #tpu.memory_space<hbm>> -> memref<3125x1024xf32, #tpu.memory_space<hbm>>
    tpu.wait_indirect_dma semaphore(%arg7 : memref<!tpu.dma_semaphore, #tpu.memory_space<semaphore_mem>>) src(%dma_wait3A_38 : memref<3125x1024xf32, #tpu.memory_space<hbm>>) dst(%arg6 : memref<64x1024xf32, #tpu.memory_space<vmem>>)
    "tpu.region"() ({
      %run_scoped3A = tpu.sem_alloc : memref<!tpu.dma_semaphore, #tpu.memory_space<semaphore_mem>>
      %dma_start3A_39 = arith.constant 0 : i32
      %dma_start3A_40 = tpu.memref_slice %arg4[%add3A_32, %dma_start3A_39] : memref<8192x1024xf32, #tpu.memory_space<hbm>> -> memref<64x1024xf32, #tpu.memory_space<hbm>>
      %dma_start3A_41 = arith.constant 0 : i32
      %dma_start3A_42 = tpu.memref_slice %arg4[%add3A_32, %dma_start3A_41] : memref<8192x1024xf32, #tpu.memory_space<hbm>> -> memref<64x1024xf32, #tpu.memory_space<hbm>>
      tpu.enqueue_dma source(%arg6 : memref<64x1024xf32, #tpu.memory_space<vmem>>) target(%dma_start3A_42 : memref<64x1024xf32, #tpu.memory_space<hbm>>) target_semaphore(%run_scoped3A : memref<!tpu.dma_semaphore, #tpu.memory_space<semaphore_mem>>)
      %dma_wait3A_43 = arith.constant 0 : i32
      %dma_wait3A_44 = tpu.memref_slice %arg4[%add3A_32, %dma_wait3A_43] : memref<8192x1024xf32, #tpu.memory_space<hbm>> -> memref<64x1024xf32, #tpu.memory_space<hbm>>
      %dma_wait3A_45 = arith.constant 0 : i32
      %dma_wait3A_46 = tpu.memref_slice %arg4[%add3A_32, %dma_wait3A_45] : memref<8192x1024xf32, #tpu.memory_space<hbm>> -> memref<64x1024xf32, #tpu.memory_space<hbm>>
      tpu.wait_dma2 semaphore(%run_scoped3A : memref<!tpu.dma_semaphore, #tpu.memory_space<semaphore_mem>>) src(%arg6 : memref<64x1024xf32, #tpu.memory_space<vmem>>) dst(%dma_wait3A_46 : memref<64x1024xf32, #tpu.memory_space<hbm>>)
      tpu.yield
    }) : () -> ()
    return
  }
}

#map = affine_map<(d0, d1) -> (0, 0)>
#map1 = affine_map<(d0, d1) -> (0)>
module attributes {stable_mosaic.version = 14 : i64} {
  func.func @gather(%arg0: i32, %arg1: i32, %arg2: memref<25000x128xf32, #tpu.memory_space<hbm>>, %arg3: memref<8192xi32, #tpu.memory_space<hbm>>, %arg4: memref<8192x128xf32, #tpu.memory_space<hbm>>, %arg5: memref<64xi32, #tpu.memory_space<vmem>>, %arg6: memref<64x128xf32, #tpu.memory_space<vmem>>, %arg7: memref<!tpu.dma_semaphore, #tpu.memory_space<semaphore_mem>>) attributes {dimension_semantics = [#tpu.dimension_semantics<core_parallel>, #tpu.dimension_semantics<subcore_parallel>], iteration_bounds = array<i64: 2, 16>, scalar_prefetch = 0 : i64, scratch_operands = 3 : i64, tpu.core_type = #tpu.core_type<sc_vector_subcore>, window_params = [{transform_indices = #map}, {transform_indices = #map1}, {transform_indices = #map}]} {
    %mul3A = arith.constant 2 : i32
    %mul3A_0 = arith.muli %arg1, %mul3A : i32
    %add3A = arith.addi %mul3A_0, %arg0 : i32
    %mul3A_1 = arith.constant 256 : i32
    %mul3A_2 = arith.muli %add3A, %mul3A_1 : i32
    %add3A_3 = arith.constant 0 : i32
    %add3A_4 = arith.addi %mul3A_2, %add3A_3 : i32
    "tpu.region"() ({
      %run_scoped3A = tpu.sem_alloc : memref<!tpu.dma_semaphore, #tpu.memory_space<semaphore_mem>>
      %dma_start3A_39 = tpu.memref_slice %arg3[%add3A_4] : memref<8192xi32, #tpu.memory_space<hbm>> -> memref<64xi32, #tpu.memory_space<hbm>>
      %dma_start3A_40 = tpu.memref_slice %arg3[%add3A_4] : memref<8192xi32, #tpu.memory_space<hbm>> -> memref<64xi32, #tpu.memory_space<hbm>>
      tpu.enqueue_dma source(%dma_start3A_40 : memref<64xi32, #tpu.memory_space<hbm>>) target(%arg5 : memref<64xi32, #tpu.memory_space<vmem>>) target_semaphore(%run_scoped3A : memref<!tpu.dma_semaphore, #tpu.memory_space<semaphore_mem>>)
      %dma_wait3A_41 = tpu.memref_slice %arg3[%add3A_4] : memref<8192xi32, #tpu.memory_space<hbm>> -> memref<64xi32, #tpu.memory_space<hbm>>
      %dma_wait3A_42 = tpu.memref_slice %arg3[%add3A_4] : memref<8192xi32, #tpu.memory_space<hbm>> -> memref<64xi32, #tpu.memory_space<hbm>>
      tpu.wait_dma2 semaphore(%run_scoped3A : memref<!tpu.dma_semaphore, #tpu.memory_space<semaphore_mem>>) src(%dma_wait3A_42 : memref<64xi32, #tpu.memory_space<hbm>>) dst(%arg5 : memref<64xi32, #tpu.memory_space<vmem>>)
      tpu.yield
    }) : () -> ()
    %dma_start3A = arith.constant 0 : i32
    %dma_start3A_5 = arith.constant 0 : i32
    %dma_start3A_6 = tpu.memref_slice %arg2[%dma_start3A, %dma_start3A_5] : memref<25000x128xf32, #tpu.memory_space<hbm>> -> memref<25000x128xf32, #tpu.memory_space<hbm>>
    tpu.enqueue_indirect_dma source(%dma_start3A_6 : memref<25000x128xf32, #tpu.memory_space<hbm>>) target(%arg6 : memref<64x128xf32, #tpu.memory_space<vmem>>) offsets(%arg5 : memref<64xi32, #tpu.memory_space<vmem>>) semaphore(%arg7 : memref<!tpu.dma_semaphore, #tpu.memory_space<semaphore_mem>>)
    %dma_wait3A = arith.constant 0 : i32
    %dma_wait3A_7 = arith.constant 0 : i32
    %dma_wait3A_8 = tpu.memref_slice %arg2[%dma_wait3A, %dma_wait3A_7] : memref<25000x128xf32, #tpu.memory_space<hbm>> -> memref<25000x128xf32, #tpu.memory_space<hbm>>
    tpu.wait_indirect_dma semaphore(%arg7 : memref<!tpu.dma_semaphore, #tpu.memory_space<semaphore_mem>>) src(%dma_wait3A_8 : memref<25000x128xf32, #tpu.memory_space<hbm>>) dst(%arg6 : memref<64x128xf32, #tpu.memory_space<vmem>>)
    "tpu.region"() ({
      %run_scoped3A = tpu.sem_alloc : memref<!tpu.dma_semaphore, #tpu.memory_space<semaphore_mem>>
      %dma_start3A_39 = arith.constant 0 : i32
      %dma_start3A_40 = tpu.memref_slice %arg4[%add3A_4, %dma_start3A_39] : memref<8192x128xf32, #tpu.memory_space<hbm>> -> memref<64x128xf32, #tpu.memory_space<hbm>>
      %dma_start3A_41 = arith.constant 0 : i32
      %dma_start3A_42 = tpu.memref_slice %arg4[%add3A_4, %dma_start3A_41] : memref<8192x128xf32, #tpu.memory_space<hbm>> -> memref<64x128xf32, #tpu.memory_space<hbm>>
      tpu.enqueue_dma source(%arg6 : memref<64x128xf32, #tpu.memory_space<vmem>>) target(%dma_start3A_42 : memref<64x128xf32, #tpu.memory_space<hbm>>) target_semaphore(%run_scoped3A : memref<!tpu.dma_semaphore, #tpu.memory_space<semaphore_mem>>)
      %dma_wait3A_43 = arith.constant 0 : i32
      %dma_wait3A_44 = tpu.memref_slice %arg4[%add3A_4, %dma_wait3A_43] : memref<8192x128xf32, #tpu.memory_space<hbm>> -> memref<64x128xf32, #tpu.memory_space<hbm>>
      %dma_wait3A_45 = arith.constant 0 : i32
      %dma_wait3A_46 = tpu.memref_slice %arg4[%add3A_4, %dma_wait3A_45] : memref<8192x128xf32, #tpu.memory_space<hbm>> -> memref<64x128xf32, #tpu.memory_space<hbm>>
      tpu.wait_dma2 semaphore(%run_scoped3A : memref<!tpu.dma_semaphore, #tpu.memory_space<semaphore_mem>>) src(%arg6 : memref<64x128xf32, #tpu.memory_space<vmem>>) dst(%dma_wait3A_46 : memref<64x128xf32, #tpu.memory_space<hbm>>)
      tpu.yield
    }) : () -> ()
    %mul3A_9 = arith.constant 256 : i32
    %mul3A_10 = arith.muli %add3A, %mul3A_9 : i32
    %add3A_11 = arith.constant 64 : i32
    %add3A_12 = arith.addi %mul3A_10, %add3A_11 : i32
    "tpu.region"() ({
      %run_scoped3A = tpu.sem_alloc : memref<!tpu.dma_semaphore, #tpu.memory_space<semaphore_mem>>
      %dma_start3A_39 = tpu.memref_slice %arg3[%add3A_12] : memref<8192xi32, #tpu.memory_space<hbm>> -> memref<64xi32, #tpu.memory_space<hbm>>
      %dma_start3A_40 = tpu.memref_slice %arg3[%add3A_12] : memref<8192xi32, #tpu.memory_space<hbm>> -> memref<64xi32, #tpu.memory_space<hbm>>
      tpu.enqueue_dma source(%dma_start3A_40 : memref<64xi32, #tpu.memory_space<hbm>>) target(%arg5 : memref<64xi32, #tpu.memory_space<vmem>>) target_semaphore(%run_scoped3A : memref<!tpu.dma_semaphore, #tpu.memory_space<semaphore_mem>>)
      %dma_wait3A_41 = tpu.memref_slice %arg3[%add3A_12] : memref<8192xi32, #tpu.memory_space<hbm>> -> memref<64xi32, #tpu.memory_space<hbm>>
      %dma_wait3A_42 = tpu.memref_slice %arg3[%add3A_12] : memref<8192xi32, #tpu.memory_space<hbm>> -> memref<64xi32, #tpu.memory_space<hbm>>
      tpu.wait_dma2 semaphore(%run_scoped3A : memref<!tpu.dma_semaphore, #tpu.memory_space<semaphore_mem>>) src(%dma_wait3A_42 : memref<64xi32, #tpu.memory_space<hbm>>) dst(%arg5 : memref<64xi32, #tpu.memory_space<vmem>>)
      tpu.yield
    }) : () -> ()
    %dma_start3A_13 = arith.constant 0 : i32
    %dma_start3A_14 = arith.constant 0 : i32
    %dma_start3A_15 = tpu.memref_slice %arg2[%dma_start3A_13, %dma_start3A_14] : memref<25000x128xf32, #tpu.memory_space<hbm>> -> memref<25000x128xf32, #tpu.memory_space<hbm>>
    tpu.enqueue_indirect_dma source(%dma_start3A_15 : memref<25000x128xf32, #tpu.memory_space<hbm>>) target(%arg6 : memref<64x128xf32, #tpu.memory_space<vmem>>) offsets(%arg5 : memref<64xi32, #tpu.memory_space<vmem>>) semaphore(%arg7 : memref<!tpu.dma_semaphore, #tpu.memory_space<semaphore_mem>>)
    %dma_wait3A_16 = arith.constant 0 : i32
    %dma_wait3A_17 = arith.constant 0 : i32
    %dma_wait3A_18 = tpu.memref_slice %arg2[%dma_wait3A_16, %dma_wait3A_17] : memref<25000x128xf32, #tpu.memory_space<hbm>> -> memref<25000x128xf32, #tpu.memory_space<hbm>>
    tpu.wait_indirect_dma semaphore(%arg7 : memref<!tpu.dma_semaphore, #tpu.memory_space<semaphore_mem>>) src(%dma_wait3A_18 : memref<25000x128xf32, #tpu.memory_space<hbm>>) dst(%arg6 : memref<64x128xf32, #tpu.memory_space<vmem>>)
    "tpu.region"() ({
      %run_scoped3A = tpu.sem_alloc : memref<!tpu.dma_semaphore, #tpu.memory_space<semaphore_mem>>
      %dma_start3A_39 = arith.constant 0 : i32
      %dma_start3A_40 = tpu.memref_slice %arg4[%add3A_12, %dma_start3A_39] : memref<8192x128xf32, #tpu.memory_space<hbm>> -> memref<64x128xf32, #tpu.memory_space<hbm>>
      %dma_start3A_41 = arith.constant 0 : i32
      %dma_start3A_42 = tpu.memref_slice %arg4[%add3A_12, %dma_start3A_41] : memref<8192x128xf32, #tpu.memory_space<hbm>> -> memref<64x128xf32, #tpu.memory_space<hbm>>
      tpu.enqueue_dma source(%arg6 : memref<64x128xf32, #tpu.memory_space<vmem>>) target(%dma_start3A_42 : memref<64x128xf32, #tpu.memory_space<hbm>>) target_semaphore(%run_scoped3A : memref<!tpu.dma_semaphore, #tpu.memory_space<semaphore_mem>>)
      %dma_wait3A_43 = arith.constant 0 : i32
      %dma_wait3A_44 = tpu.memref_slice %arg4[%add3A_12, %dma_wait3A_43] : memref<8192x128xf32, #tpu.memory_space<hbm>> -> memref<64x128xf32, #tpu.memory_space<hbm>>
      %dma_wait3A_45 = arith.constant 0 : i32
      %dma_wait3A_46 = tpu.memref_slice %arg4[%add3A_12, %dma_wait3A_45] : memref<8192x128xf32, #tpu.memory_space<hbm>> -> memref<64x128xf32, #tpu.memory_space<hbm>>
      tpu.wait_dma2 semaphore(%run_scoped3A : memref<!tpu.dma_semaphore, #tpu.memory_space<semaphore_mem>>) src(%arg6 : memref<64x128xf32, #tpu.memory_space<vmem>>) dst(%dma_wait3A_46 : memref<64x128xf32, #tpu.memory_space<hbm>>)
      tpu.yield
    }) : () -> ()
    %mul3A_19 = arith.constant 256 : i32
    %mul3A_20 = arith.muli %add3A, %mul3A_19 : i32
    %add3A_21 = arith.constant 128 : i32
    %add3A_22 = arith.addi %mul3A_20, %add3A_21 : i32
    "tpu.region"() ({
      %run_scoped3A = tpu.sem_alloc : memref<!tpu.dma_semaphore, #tpu.memory_space<semaphore_mem>>
      %dma_start3A_39 = tpu.memref_slice %arg3[%add3A_22] : memref<8192xi32, #tpu.memory_space<hbm>> -> memref<64xi32, #tpu.memory_space<hbm>>
      %dma_start3A_40 = tpu.memref_slice %arg3[%add3A_22] : memref<8192xi32, #tpu.memory_space<hbm>> -> memref<64xi32, #tpu.memory_space<hbm>>
      tpu.enqueue_dma source(%dma_start3A_40 : memref<64xi32, #tpu.memory_space<hbm>>) target(%arg5 : memref<64xi32, #tpu.memory_space<vmem>>) target_semaphore(%run_scoped3A : memref<!tpu.dma_semaphore, #tpu.memory_space<semaphore_mem>>)
      %dma_wait3A_41 = tpu.memref_slice %arg3[%add3A_22] : memref<8192xi32, #tpu.memory_space<hbm>> -> memref<64xi32, #tpu.memory_space<hbm>>
      %dma_wait3A_42 = tpu.memref_slice %arg3[%add3A_22] : memref<8192xi32, #tpu.memory_space<hbm>> -> memref<64xi32, #tpu.memory_space<hbm>>
      tpu.wait_dma2 semaphore(%run_scoped3A : memref<!tpu.dma_semaphore, #tpu.memory_space<semaphore_mem>>) src(%dma_wait3A_42 : memref<64xi32, #tpu.memory_space<hbm>>) dst(%arg5 : memref<64xi32, #tpu.memory_space<vmem>>)
      tpu.yield
    }) : () -> ()
    %dma_start3A_23 = arith.constant 0 : i32
    %dma_start3A_24 = arith.constant 0 : i32
    %dma_start3A_25 = tpu.memref_slice %arg2[%dma_start3A_23, %dma_start3A_24] : memref<25000x128xf32, #tpu.memory_space<hbm>> -> memref<25000x128xf32, #tpu.memory_space<hbm>>
    tpu.enqueue_indirect_dma source(%dma_start3A_25 : memref<25000x128xf32, #tpu.memory_space<hbm>>) target(%arg6 : memref<64x128xf32, #tpu.memory_space<vmem>>) offsets(%arg5 : memref<64xi32, #tpu.memory_space<vmem>>) semaphore(%arg7 : memref<!tpu.dma_semaphore, #tpu.memory_space<semaphore_mem>>)
    %dma_wait3A_26 = arith.constant 0 : i32
    %dma_wait3A_27 = arith.constant 0 : i32
    %dma_wait3A_28 = tpu.memref_slice %arg2[%dma_wait3A_26, %dma_wait3A_27] : memref<25000x128xf32, #tpu.memory_space<hbm>> -> memref<25000x128xf32, #tpu.memory_space<hbm>>
    tpu.wait_indirect_dma semaphore(%arg7 : memref<!tpu.dma_semaphore, #tpu.memory_space<semaphore_mem>>) src(%dma_wait3A_28 : memref<25000x128xf32, #tpu.memory_space<hbm>>) dst(%arg6 : memref<64x128xf32, #tpu.memory_space<vmem>>)
    "tpu.region"() ({
      %run_scoped3A = tpu.sem_alloc : memref<!tpu.dma_semaphore, #tpu.memory_space<semaphore_mem>>
      %dma_start3A_39 = arith.constant 0 : i32
      %dma_start3A_40 = tpu.memref_slice %arg4[%add3A_22, %dma_start3A_39] : memref<8192x128xf32, #tpu.memory_space<hbm>> -> memref<64x128xf32, #tpu.memory_space<hbm>>
      %dma_start3A_41 = arith.constant 0 : i32
      %dma_start3A_42 = tpu.memref_slice %arg4[%add3A_22, %dma_start3A_41] : memref<8192x128xf32, #tpu.memory_space<hbm>> -> memref<64x128xf32, #tpu.memory_space<hbm>>
      tpu.enqueue_dma source(%arg6 : memref<64x128xf32, #tpu.memory_space<vmem>>) target(%dma_start3A_42 : memref<64x128xf32, #tpu.memory_space<hbm>>) target_semaphore(%run_scoped3A : memref<!tpu.dma_semaphore, #tpu.memory_space<semaphore_mem>>)
      %dma_wait3A_43 = arith.constant 0 : i32
      %dma_wait3A_44 = tpu.memref_slice %arg4[%add3A_22, %dma_wait3A_43] : memref<8192x128xf32, #tpu.memory_space<hbm>> -> memref<64x128xf32, #tpu.memory_space<hbm>>
      %dma_wait3A_45 = arith.constant 0 : i32
      %dma_wait3A_46 = tpu.memref_slice %arg4[%add3A_22, %dma_wait3A_45] : memref<8192x128xf32, #tpu.memory_space<hbm>> -> memref<64x128xf32, #tpu.memory_space<hbm>>
      tpu.wait_dma2 semaphore(%run_scoped3A : memref<!tpu.dma_semaphore, #tpu.memory_space<semaphore_mem>>) src(%arg6 : memref<64x128xf32, #tpu.memory_space<vmem>>) dst(%dma_wait3A_46 : memref<64x128xf32, #tpu.memory_space<hbm>>)
      tpu.yield
    }) : () -> ()
    %mul3A_29 = arith.constant 256 : i32
    %mul3A_30 = arith.muli %add3A, %mul3A_29 : i32
    %add3A_31 = arith.constant 192 : i32
    %add3A_32 = arith.addi %mul3A_30, %add3A_31 : i32
    "tpu.region"() ({
      %run_scoped3A = tpu.sem_alloc : memref<!tpu.dma_semaphore, #tpu.memory_space<semaphore_mem>>
      %dma_start3A_39 = tpu.memref_slice %arg3[%add3A_32] : memref<8192xi32, #tpu.memory_space<hbm>> -> memref<64xi32, #tpu.memory_space<hbm>>
      %dma_start3A_40 = tpu.memref_slice %arg3[%add3A_32] : memref<8192xi32, #tpu.memory_space<hbm>> -> memref<64xi32, #tpu.memory_space<hbm>>
      tpu.enqueue_dma source(%dma_start3A_40 : memref<64xi32, #tpu.memory_space<hbm>>) target(%arg5 : memref<64xi32, #tpu.memory_space<vmem>>) target_semaphore(%run_scoped3A : memref<!tpu.dma_semaphore, #tpu.memory_space<semaphore_mem>>)
      %dma_wait3A_41 = tpu.memref_slice %arg3[%add3A_32] : memref<8192xi32, #tpu.memory_space<hbm>> -> memref<64xi32, #tpu.memory_space<hbm>>
      %dma_wait3A_42 = tpu.memref_slice %arg3[%add3A_32] : memref<8192xi32, #tpu.memory_space<hbm>> -> memref<64xi32, #tpu.memory_space<hbm>>
      tpu.wait_dma2 semaphore(%run_scoped3A : memref<!tpu.dma_semaphore, #tpu.memory_space<semaphore_mem>>) src(%dma_wait3A_42 : memref<64xi32, #tpu.memory_space<hbm>>) dst(%arg5 : memref<64xi32, #tpu.memory_space<vmem>>)
      tpu.yield
    }) : () -> ()
    %dma_start3A_33 = arith.constant 0 : i32
    %dma_start3A_34 = arith.constant 0 : i32
    %dma_start3A_35 = tpu.memref_slice %arg2[%dma_start3A_33, %dma_start3A_34] : memref<25000x128xf32, #tpu.memory_space<hbm>> -> memref<25000x128xf32, #tpu.memory_space<hbm>>
    tpu.enqueue_indirect_dma source(%dma_start3A_35 : memref<25000x128xf32, #tpu.memory_space<hbm>>) target(%arg6 : memref<64x128xf32, #tpu.memory_space<vmem>>) offsets(%arg5 : memref<64xi32, #tpu.memory_space<vmem>>) semaphore(%arg7 : memref<!tpu.dma_semaphore, #tpu.memory_space<semaphore_mem>>)
    %dma_wait3A_36 = arith.constant 0 : i32
    %dma_wait3A_37 = arith.constant 0 : i32
    %dma_wait3A_38 = tpu.memref_slice %arg2[%dma_wait3A_36, %dma_wait3A_37] : memref<25000x128xf32, #tpu.memory_space<hbm>> -> memref<25000x128xf32, #tpu.memory_space<hbm>>
    tpu.wait_indirect_dma semaphore(%arg7 : memref<!tpu.dma_semaphore, #tpu.memory_space<semaphore_mem>>) src(%dma_wait3A_38 : memref<25000x128xf32, #tpu.memory_space<hbm>>) dst(%arg6 : memref<64x128xf32, #tpu.memory_space<vmem>>)
    "tpu.region"() ({
      %run_scoped3A = tpu.sem_alloc : memref<!tpu.dma_semaphore, #tpu.memory_space<semaphore_mem>>
      %dma_start3A_39 = arith.constant 0 : i32
      %dma_start3A_40 = tpu.memref_slice %arg4[%add3A_32, %dma_start3A_39] : memref<8192x128xf32, #tpu.memory_space<hbm>> -> memref<64x128xf32, #tpu.memory_space<hbm>>
      %dma_start3A_41 = arith.constant 0 : i32
      %dma_start3A_42 = tpu.memref_slice %arg4[%add3A_32, %dma_start3A_41] : memref<8192x128xf32, #tpu.memory_space<hbm>> -> memref<64x128xf32, #tpu.memory_space<hbm>>
      tpu.enqueue_dma source(%arg6 : memref<64x128xf32, #tpu.memory_space<vmem>>) target(%dma_start3A_42 : memref<64x128xf32, #tpu.memory_space<hbm>>) target_semaphore(%run_scoped3A : memref<!tpu.dma_semaphore, #tpu.memory_space<semaphore_mem>>)
      %dma_wait3A_43 = arith.constant 0 : i32
      %dma_wait3A_44 = tpu.memref_slice %arg4[%add3A_32, %dma_wait3A_43] : memref<8192x128xf32, #tpu.memory_space<hbm>> -> memref<64x128xf32, #tpu.memory_space<hbm>>
      %dma_wait3A_45 = arith.constant 0 : i32
      %dma_wait3A_46 = tpu.memref_slice %arg4[%add3A_32, %dma_wait3A_45] : memref<8192x128xf32, #tpu.memory_space<hbm>> -> memref<64x128xf32, #tpu.memory_space<hbm>>
      tpu.wait_dma2 semaphore(%run_scoped3A : memref<!tpu.dma_semaphore, #tpu.memory_space<semaphore_mem>>) src(%arg6 : memref<64x128xf32, #tpu.memory_space<vmem>>) dst(%dma_wait3A_46 : memref<64x128xf32, #tpu.memory_space<hbm>>)
      tpu.yield
    }) : () -> ()
    return
  }
}

module attributes {stable_mosaic.version = 14 : i64} {
  func.func @_stage_a(%arg0: i32, %arg1: memref<1024x32xf32, #tpu.memory_space<vmem>>, %arg2: memref<32x32xf32, #tpu.memory_space<vmem>>, %arg3: memref<1x32xf32, #tpu.memory_space<vmem>>, %arg4: memref<4000x32xf32, #tpu.memory_space<vmem>>, %arg5: memref<1024x32xf32, #tpu.memory_space<vmem>>, %arg6: memref<8x1024xi32, #tpu.memory_space<vmem>>, %arg7: memref<1024x32xf32, #tpu.memory_space<vmem>>, %arg8: memref<25x125x1024xf32, #tpu.memory_space<vmem>>) attributes {dimension_semantics = [#tpu.dimension_semantics<arbitrary>], iteration_bounds = array<i64: 25>, scalar_prefetch = 0 : i64, scratch_operands = 2 : i64, tpu.core_type = #tpu.core_type<tc>, window_params = [{pipeline_mode = #tpu.pipeline_mode<synchronous>, transform_indices = @transform_0, window_bounds = array<i64: 1024, 32>}, {pipeline_mode = #tpu.pipeline_mode<synchronous>, transform_indices = @transform_1, window_bounds = array<i64: 32, 32>}, {pipeline_mode = #tpu.pipeline_mode<synchronous>, transform_indices = @transform_2, window_bounds = array<i64: 1, 32>}, {transform_indices = @transform_3, window_bounds = array<i64: 4000, 32>}, {pipeline_mode = #tpu.pipeline_mode<synchronous>, transform_indices = @transform_4, window_bounds = array<i64: 1024, 32>}, {pipeline_mode = #tpu.pipeline_mode<synchronous>, transform_indices = @transform_5, window_bounds = array<i64: 8, 1024>}]} {
    %eq3A = arith.constant 0 : i32
    %eq3A_0 = arith.cmpi eq, %arg0, %eq3A : i32
    %convert_element_type3A = arith.extui %eq3A_0 : i1 to i32
    %cond3A = arith.constant 0 : i32
    %cond3A_1 = arith.cmpi ne, %convert_element_type3A, %cond3A : i32
    scf.if %cond3A_1 {
      %get3A_19 = arith.constant 0 : index
      %get3A_20 = arith.constant 0 : index
      %get3A_21 = vector.load %arg1[%get3A_19, %get3A_20] : memref<1024x32xf32, #tpu.memory_space<vmem>>, vector<1024x32xf32>
      %get3A_22 = arith.constant 0 : index
      %get3A_23 = arith.constant 0 : index
      %get3A_24 = vector.load %arg2[%get3A_22, %get3A_23] : memref<32x32xf32, #tpu.memory_space<vmem>>, vector<32x32xf32>
      %dot_general3A_25 = arith.constant dense<0.000000e+00> : vector<1024x32xf32>
      %dot_general3A_26 = tpu.matmul %get3A_21, %get3A_24, %dot_general3A_25 {dimension_numbers = #tpu.dot_dimension_numbers<[1], [0], [0], [1], [0, 0, 1, 1], [], []>, transpose_lhs_hint = false} : vector<1024x32xf32>, vector<32x32xf32>, vector<1024x32xf32> -> vector<1024x32xf32>
      %get3A_27 = arith.constant 0 : index
      %get3A_28 = arith.constant 0 : index
      %get3A_29 = vector.load %arg3[%get3A_27, %get3A_28] : memref<1x32xf32, #tpu.memory_space<vmem>>, vector<1x32xf32>
      %add3A = vector.broadcast %get3A_29 : vector<1x32xf32> to vector<1024x32xf32>
      %add3A_30 = arith.addf %dot_general3A_26, %add3A : vector<1024x32xf32>
      %swap3A_31 = arith.constant 0 : index
      %swap3A_32 = arith.constant 0 : index
      %swap3A_33 = vector.load %arg7[%swap3A_31, %swap3A_32] : memref<1024x32xf32, #tpu.memory_space<vmem>>, vector<1024x32xf32>
      tpu.vector_store %arg7[%swap3A_31, %swap3A_32], %add3A_30 {strides = array<i32>} : memref<1024x32xf32, #tpu.memory_space<vmem>>, vector<1024x32xf32>,
      %swap3A_34 = arith.constant 0 : index
      %swap3A_35 = arith.constant 0 : index
      %swap3A_36 = vector.load %arg5[%swap3A_34, %swap3A_35] : memref<1024x32xf32, #tpu.memory_space<vmem>>, vector<1024x32xf32>
      tpu.vector_store %arg5[%swap3A_34, %swap3A_35], %add3A_30 {strides = array<i32>} : memref<1024x32xf32, #tpu.memory_space<vmem>>, vector<1024x32xf32>,
    } else {
    }
    %get3A = arith.constant 0 : index
    %get3A_2 = arith.constant 0 : index
    %get3A_3 = vector.load %arg4[%get3A, %get3A_2] : memref<4000x32xf32, #tpu.memory_space<vmem>>, vector<4000x32xf32>
    %get3A_4 = arith.constant 0 : index
    %get3A_5 = arith.constant 0 : index
    %get3A_6 = vector.load %arg7[%get3A_4, %get3A_5] : memref<1024x32xf32, #tpu.memory_space<vmem>>, vector<1024x32xf32>
    %dot_general3A = arith.constant dense<0.000000e+00> : vector<4000x1024xf32>
    %dot_general3A_7 = tpu.matmul %get3A_3, %get3A_6, %dot_general3A {dimension_numbers = #tpu.dot_dimension_numbers<[1], [1], [0], [0], [0, 0, 1, 0], [], []>, transpose_lhs_hint = false} : vector<4000x32xf32>, vector<1024x32xf32>, vector<4000x1024xf32> -> vector<4000x1024xf32>
    %reshape3A = vector.shape_cast %dot_general3A_7 : vector<4000x1024xf32> to vector<125x32x1024xf32>
    %reduce_max3A = arith.constant dense<0xFF800000> : vector<125x1024xf32>
    %reduce_max3A_8 = vector.multi_reduction <maximumf>, %reshape3A, %reduce_max3A [1] : vector<125x32x1024xf32> to vector<125x1024xf32>
    %swap3A = arith.index_cast %arg0 : i32 to index
    %swap3A_9 = arith.constant 0 : index
    %swap3A_10 = arith.constant 0 : index
    %swap3A_11 = vector.load %arg8[%swap3A, %swap3A_9, %swap3A_10] : memref<25x125x1024xf32, #tpu.memory_space<vmem>>, vector<1x125x1024xf32>
    %swap3A_12 = vector.shape_cast %swap3A_11 : vector<1x125x1024xf32> to vector<125x1024xf32>
    %swap3A_13 = vector.shape_cast %reduce_max3A_8 : vector<125x1024xf32> to vector<1x125x1024xf32>
    tpu.vector_store %arg8[%swap3A, %swap3A_9, %swap3A_10], %swap3A_13 {strides = array<i32>} : memref<25x125x1024xf32, #tpu.memory_space<vmem>>, vector<1x125x1024xf32>,
    %eq3A_14 = arith.constant 24 : i32
    %eq3A_15 = arith.cmpi eq, %arg0, %eq3A_14 : i32
    %convert_element_type3A_16 = arith.extui %eq3A_15 : i1 to i32
    %cond3A_17 = arith.constant 0 : i32
    %cond3A_18 = arith.cmpi ne, %convert_element_type3A_16, %cond3A_17 : i32
    scf.if %cond3A_18 {
      %get3A_19 = arith.constant 0 : index
      %get3A_20 = arith.constant 0 : index
      %get3A_21 = arith.constant 0 : index
      %get3A_22 = vector.load %arg8[%get3A_19, %get3A_20, %get3A_21] : memref<25x125x1024xf32, #tpu.memory_space<vmem>>, vector<25x125x256xf32>
      %iota3A = tpu.iota {dimensions = array<i32: 0>} : vector<25x125x256xi32>
      %iota3A_23 = tpu.iota {dimensions = array<i32: 1>} : vector<25x125x256xi32>
      %mul3A = arith.constant 125 : i32
      %mul3A_24 = vector.broadcast %mul3A : i32 to vector<25x125x256xi32>
      %mul3A_25 = arith.muli %iota3A, %mul3A_24 : vector<25x125x256xi32>
      %add3A = arith.addi %mul3A_25, %iota3A_23 : vector<25x125x256xi32>
      %reduce_max3A_26 = arith.constant dense<0xFF800000> : vector<256xf32>
      %reduce_max3A_27 = vector.multi_reduction <maximumf>, %get3A_22, %reduce_max3A_26 [0, 1] : vector<25x125x256xf32> to vector<256xf32>
      %broadcast_in_dim3A = vector.shape_cast %reduce_max3A_27 : vector<256xf32> to vector<1x1x256xf32>
      %eq3A_28 = vector.broadcast %broadcast_in_dim3A : vector<1x1x256xf32> to vector<25x125x256xf32>
      %eq3A_29 = arith.cmpf oeq, %get3A_22, %eq3A_28 : vector<25x125x256xf32>
      %jit3A = arith.constant 3125 : i32
      %broadcast_in_dim3A_30 = vector.broadcast %jit3A : i32 to vector<25x125x256xi32>
      %select_n3A = arith.select %eq3A_29, %add3A, %broadcast_in_dim3A_30 : vector<25x125x256xi1>, vector<25x125x256xi32>
      %reduce_min3A = arith.constant dense<2147483647> : vector<256xi32>
      %reduce_min3A_31 = vector.multi_reduction <minsi>, %select_n3A, %reduce_min3A [0, 1] : vector<25x125x256xi32> to vector<256xi32>
      %broadcast_in_dim3A_32 = vector.shape_cast %reduce_min3A_31 : vector<256xi32> to vector<1x1x256xi32>
      %eq3A_33 = vector.broadcast %broadcast_in_dim3A_32 : vector<1x1x256xi32> to vector<25x125x256xi32>
      %eq3A_34 = arith.cmpi eq, %add3A, %eq3A_33 : vector<25x125x256xi32>
      %jit3A_35 = arith.constant 0xFF800000 : f32
      %broadcast_in_dim3A_36 = vector.broadcast %jit3A_35 : f32 to vector<25x125x256xf32>
      %select_n3A_37 = arith.select %eq3A_34, %broadcast_in_dim3A_36, %get3A_22 : vector<25x125x256xi1>, vector<25x125x256xf32>
      %reduce_max3A_38 = arith.constant dense<0xFF800000> : vector<256xf32>
      %reduce_max3A_39 = vector.multi_reduction <maximumf>, %select_n3A_37, %reduce_max3A_38 [0, 1] : vector<25x125x256xf32> to vector<256xf32>
      %broadcast_in_dim3A_40 = vector.shape_cast %reduce_max3A_39 : vector<256xf32> to vector<1x1x256xf32>
      %eq3A_41 = vector.broadcast %broadcast_in_dim3A_40 : vector<1x1x256xf32> to vector<25x125x256xf32>
      %eq3A_42 = arith.cmpf oeq, %select_n3A_37, %eq3A_41 : vector<25x125x256xf32>
      %jit3A_43 = arith.constant 3125 : i32
      %broadcast_in_dim3A_44 = vector.broadcast %jit3A_43 : i32 to vector<25x125x256xi32>
      %select_n3A_45 = arith.select %eq3A_42, %add3A, %broadcast_in_dim3A_44 : vector<25x125x256xi1>, vector<25x125x256xi32>
      %reduce_min3A_46 = arith.constant dense<2147483647> : vector<256xi32>
      %reduce_min3A_47 = vector.multi_reduction <minsi>, %select_n3A_45, %reduce_min3A_46 [0, 1] : vector<25x125x256xi32> to vector<256xi32>
      %broadcast_in_dim3A_48 = vector.shape_cast %reduce_min3A_47 : vector<256xi32> to vector<1x1x256xi32>
      %eq3A_49 = vector.broadcast %broadcast_in_dim3A_48 : vector<1x1x256xi32> to vector<25x125x256xi32>
      %eq3A_50 = arith.cmpi eq, %add3A, %eq3A_49 : vector<25x125x256xi32>
      %jit3A_51 = arith.constant 0xFF800000 : f32
      %broadcast_in_dim3A_52 = vector.broadcast %jit3A_51 : f32 to vector<25x125x256xf32>
      %select_n3A_53 = arith.select %eq3A_50, %broadcast_in_dim3A_52, %select_n3A_37 : vector<25x125x256xi1>, vector<25x125x256xf32>
      %reduce_max3A_54 = arith.constant dense<0xFF800000> : vector<256xf32>
      %reduce_max3A_55 = vector.multi_reduction <maximumf>, %select_n3A_53, %reduce_max3A_54 [0, 1] : vector<25x125x256xf32> to vector<256xf32>
      %broadcast_in_dim3A_56 = vector.shape_cast %reduce_max3A_55 : vector<256xf32> to vector<1x1x256xf32>
      %eq3A_57 = vector.broadcast %broadcast_in_dim3A_56 : vector<1x1x256xf32> to vector<25x125x256xf32>
      %eq3A_58 = arith.cmpf oeq, %select_n3A_53, %eq3A_57 : vector<25x125x256xf32>
      %jit3A_59 = arith.constant 3125 : i32
      %broadcast_in_dim3A_60 = vector.broadcast %jit3A_59 : i32 to vector<25x125x256xi32>
      %select_n3A_61 = arith.select %eq3A_58, %add3A, %broadcast_in_dim3A_60 : vector<25x125x256xi1>, vector<25x125x256xi32>
      %reduce_min3A_62 = arith.constant dense<2147483647> : vector<256xi32>
      %reduce_min3A_63 = vector.multi_reduction <minsi>, %select_n3A_61, %reduce_min3A_62 [0, 1] : vector<25x125x256xi32> to vector<256xi32>
      %broadcast_in_dim3A_64 = vector.shape_cast %reduce_min3A_63 : vector<256xi32> to vector<1x1x256xi32>
      %eq3A_65 = vector.broadcast %broadcast_in_dim3A_64 : vector<1x1x256xi32> to vector<25x125x256xi32>
      %eq3A_66 = arith.cmpi eq, %add3A, %eq3A_65 : vector<25x125x256xi32>
      %jit3A_67 = arith.constant 0xFF800000 : f32
      %broadcast_in_dim3A_68 = vector.broadcast %jit3A_67 : f32 to vector<25x125x256xf32>
      %select_n3A_69 = arith.select %eq3A_66, %broadcast_in_dim3A_68, %select_n3A_53 : vector<25x125x256xi1>, vector<25x125x256xf32>
      %reduce_max3A_70 = arith.constant dense<0xFF800000> : vector<256xf32>
      %reduce_max3A_71 = vector.multi_reduction <maximumf>, %select_n3A_69, %reduce_max3A_70 [0, 1] : vector<25x125x256xf32> to vector<256xf32>
      %broadcast_in_dim3A_72 = vector.shape_cast %reduce_max3A_71 : vector<256xf32> to vector<1x1x256xf32>
      %eq3A_73 = vector.broadcast %broadcast_in_dim3A_72 : vector<1x1x256xf32> to vector<25x125x256xf32>
      %eq3A_74 = arith.cmpf oeq, %select_n3A_69, %eq3A_73 : vector<25x125x256xf32>
      %jit3A_75 = arith.constant 3125 : i32
      %broadcast_in_dim3A_76 = vector.broadcast %jit3A_75 : i32 to vector<25x125x256xi32>
      %select_n3A_77 = arith.select %eq3A_74, %add3A, %broadcast_in_dim3A_76 : vector<25x125x256xi1>, vector<25x125x256xi32>
      %reduce_min3A_78 = arith.constant dense<2147483647> : vector<256xi32>
      %reduce_min3A_79 = vector.multi_reduction <minsi>, %select_n3A_77, %reduce_min3A_78 [0, 1] : vector<25x125x256xi32> to vector<256xi32>
      %broadcast_in_dim3A_80 = vector.shape_cast %reduce_min3A_79 : vector<256xi32> to vector<1x1x256xi32>
      %eq3A_81 = vector.broadcast %broadcast_in_dim3A_80 : vector<1x1x256xi32> to vector<25x125x256xi32>
      %eq3A_82 = arith.cmpi eq, %add3A, %eq3A_81 : vector<25x125x256xi32>
      %jit3A_83 = arith.constant 0xFF800000 : f32
      %broadcast_in_dim3A_84 = vector.broadcast %jit3A_83 : f32 to vector<25x125x256xf32>
      %select_n3A_85 = arith.select %eq3A_82, %broadcast_in_dim3A_84, %select_n3A_69 : vector<25x125x256xi1>, vector<25x125x256xf32>
      %reduce_max3A_86 = arith.constant dense<0xFF800000> : vector<256xf32>
      %reduce_max3A_87 = vector.multi_reduction <maximumf>, %select_n3A_85, %reduce_max3A_86 [0, 1] : vector<25x125x256xf32> to vector<256xf32>
      %broadcast_in_dim3A_88 = vector.shape_cast %reduce_max3A_87 : vector<256xf32> to vector<1x1x256xf32>
      %eq3A_89 = vector.broadcast %broadcast_in_dim3A_88 : vector<1x1x256xf32> to vector<25x125x256xf32>
      %eq3A_90 = arith.cmpf oeq, %select_n3A_85, %eq3A_89 : vector<25x125x256xf32>
      %jit3A_91 = arith.constant 3125 : i32
      %broadcast_in_dim3A_92 = vector.broadcast %jit3A_91 : i32 to vector<25x125x256xi32>
      %select_n3A_93 = arith.select %eq3A_90, %add3A, %broadcast_in_dim3A_92 : vector<25x125x256xi1>, vector<25x125x256xi32>
      %reduce_min3A_94 = arith.constant dense<2147483647> : vector<256xi32>
      %reduce_min3A_95 = vector.multi_reduction <minsi>, %select_n3A_93, %reduce_min3A_94 [0, 1] : vector<25x125x256xi32> to vector<256xi32>
      %broadcast_in_dim3A_96 = vector.shape_cast %reduce_min3A_95 : vector<256xi32> to vector<1x1x256xi32>
      %eq3A_97 = vector.broadcast %broadcast_in_dim3A_96 : vector<1x1x256xi32> to vector<25x125x256xi32>
      %eq3A_98 = arith.cmpi eq, %add3A, %eq3A_97 : vector<25x125x256xi32>
      %jit3A_99 = arith.constant 0xFF800000 : f32
      %broadcast_in_dim3A_100 = vector.broadcast %jit3A_99 : f32 to vector<25x125x256xf32>
      %select_n3A_101 = arith.select %eq3A_98, %broadcast_in_dim3A_100, %select_n3A_85 : vector<25x125x256xi1>, vector<25x125x256xf32>
      %reduce_max3A_102 = arith.constant dense<0xFF800000> : vector<256xf32>
      %reduce_max3A_103 = vector.multi_reduction <maximumf>, %select_n3A_101, %reduce_max3A_102 [0, 1] : vector<25x125x256xf32> to vector<256xf32>
      %broadcast_in_dim3A_104 = vector.shape_cast %reduce_max3A_103 : vector<256xf32> to vector<1x1x256xf32>
      %eq3A_105 = vector.broadcast %broadcast_in_dim3A_104 : vector<1x1x256xf32> to vector<25x125x256xf32>
      %eq3A_106 = arith.cmpf oeq, %select_n3A_101, %eq3A_105 : vector<25x125x256xf32>
      %jit3A_107 = arith.constant 3125 : i32
      %broadcast_in_dim3A_108 = vector.broadcast %jit3A_107 : i32 to vector<25x125x256xi32>
      %select_n3A_109 = arith.select %eq3A_106, %add3A, %broadcast_in_dim3A_108 : vector<25x125x256xi1>, vector<25x125x256xi32>
      %reduce_min3A_110 = arith.constant dense<2147483647> : vector<256xi32>
      %reduce_min3A_111 = vector.multi_reduction <minsi>, %select_n3A_109, %reduce_min3A_110 [0, 1] : vector<25x125x256xi32> to vector<256xi32>
      %broadcast_in_dim3A_112 = vector.shape_cast %reduce_min3A_111 : vector<256xi32> to vector<1x1x256xi32>
      %eq3A_113 = vector.broadcast %broadcast_in_dim3A_112 : vector<1x1x256xi32> to vector<25x125x256xi32>
      %eq3A_114 = arith.cmpi eq, %add3A, %eq3A_113 : vector<25x125x256xi32>
      %jit3A_115 = arith.constant 0xFF800000 : f32
      %broadcast_in_dim3A_116 = vector.broadcast %jit3A_115 : f32 to vector<25x125x256xf32>
      %select_n3A_117 = arith.select %eq3A_114, %broadcast_in_dim3A_116, %select_n3A_101 : vector<25x125x256xi1>, vector<25x125x256xf32>
      %reduce_max3A_118 = arith.constant dense<0xFF800000> : vector<256xf32>
      %reduce_max3A_119 = vector.multi_reduction <maximumf>, %select_n3A_117, %reduce_max3A_118 [0, 1] : vector<25x125x256xf32> to vector<256xf32>
      %broadcast_in_dim3A_120 = vector.shape_cast %reduce_max3A_119 : vector<256xf32> to vector<1x1x256xf32>
      %eq3A_121 = vector.broadcast %broadcast_in_dim3A_120 : vector<1x1x256xf32> to vector<25x125x256xf32>
      %eq3A_122 = arith.cmpf oeq, %select_n3A_117, %eq3A_121 : vector<25x125x256xf32>
      %jit3A_123 = arith.constant 3125 : i32
      %broadcast_in_dim3A_124 = vector.broadcast %jit3A_123 : i32 to vector<25x125x256xi32>
      %select_n3A_125 = arith.select %eq3A_122, %add3A, %broadcast_in_dim3A_124 : vector<25x125x256xi1>, vector<25x125x256xi32>
      %reduce_min3A_126 = arith.constant dense<2147483647> : vector<256xi32>
      %reduce_min3A_127 = vector.multi_reduction <minsi>, %select_n3A_125, %reduce_min3A_126 [0, 1] : vector<25x125x256xi32> to vector<256xi32>
      %broadcast_in_dim3A_128 = vector.shape_cast %reduce_min3A_127 : vector<256xi32> to vector<1x1x256xi32>
      %eq3A_129 = vector.broadcast %broadcast_in_dim3A_128 : vector<1x1x256xi32> to vector<25x125x256xi32>
      %eq3A_130 = arith.cmpi eq, %add3A, %eq3A_129 : vector<25x125x256xi32>
      %jit3A_131 = arith.constant 0xFF800000 : f32
      %broadcast_in_dim3A_132 = vector.broadcast %jit3A_131 : f32 to vector<25x125x256xf32>
      %select_n3A_133 = arith.select %eq3A_130, %broadcast_in_dim3A_132, %select_n3A_117 : vector<25x125x256xi1>, vector<25x125x256xf32>
      %reduce_max3A_134 = arith.constant dense<0xFF800000> : vector<256xf32>
      %reduce_max3A_135 = vector.multi_reduction <maximumf>, %select_n3A_133, %reduce_max3A_134 [0, 1] : vector<25x125x256xf32> to vector<256xf32>
      %broadcast_in_dim3A_136 = vector.shape_cast %reduce_max3A_135 : vector<256xf32> to vector<1x1x256xf32>
      %eq3A_137 = vector.broadcast %broadcast_in_dim3A_136 : vector<1x1x256xf32> to vector<25x125x256xf32>
      %eq3A_138 = arith.cmpf oeq, %select_n3A_133, %eq3A_137 : vector<25x125x256xf32>
      %jit3A_139 = arith.constant 3125 : i32
      %broadcast_in_dim3A_140 = vector.broadcast %jit3A_139 : i32 to vector<25x125x256xi32>
      %select_n3A_141 = arith.select %eq3A_138, %add3A, %broadcast_in_dim3A_140 : vector<25x125x256xi1>, vector<25x125x256xi32>
      %reduce_min3A_142 = arith.constant dense<2147483647> : vector<256xi32>
      %reduce_min3A_143 = vector.multi_reduction <minsi>, %select_n3A_141, %reduce_min3A_142 [0, 1] : vector<25x125x256xi32> to vector<256xi32>
      %stack3A = vector.shape_cast %reduce_min3A_31 : vector<256xi32> to vector<1x256xi32>
      %stack3A_144 = vector.shape_cast %reduce_min3A_47 : vector<256xi32> to vector<1x256xi32>
      %stack3A_145 = vector.shape_cast %reduce_min3A_63 : vector<256xi32> to vector<1x256xi32>
      %stack3A_146 = vector.shape_cast %reduce_min3A_79 : vector<256xi32> to vector<1x256xi32>
      %stack3A_147 = vector.shape_cast %reduce_min3A_95 : vector<256xi32> to vector<1x256xi32>
      %stack3A_148 = vector.shape_cast %reduce_min3A_111 : vector<256xi32> to vector<1x256xi32>
      %stack3A_149 = vector.shape_cast %reduce_min3A_127 : vector<256xi32> to vector<1x256xi32>
      %stack3A_150 = vector.shape_cast %reduce_min3A_143 : vector<256xi32> to vector<1x256xi32>
      %stack3A_151 = tpu.concatenate %stack3A, %stack3A_144, %stack3A_145, %stack3A_146, %stack3A_147, %stack3A_148, %stack3A_149, %stack3A_150 in 0 : vector<1x256xi32>, vector<1x256xi32>, vector<1x256xi32>, vector<1x256xi32>, vector<1x256xi32>, vector<1x256xi32>, vector<1x256xi32>, vector<1x256xi32> -> vector<8x256xi32>
      %swap3A_152 = arith.constant 0 : index
      %swap3A_153 = arith.constant 0 : index
      %swap3A_154 = vector.load %arg6[%swap3A_152, %swap3A_153] : memref<8x1024xi32, #tpu.memory_space<vmem>>, vector<8x256xi32>
      tpu.vector_store %arg6[%swap3A_152, %swap3A_153], %stack3A_151 {strides = array<i32>} : memref<8x1024xi32, #tpu.memory_space<vmem>>, vector<8x256xi32>,
      %get3A_155 = arith.constant 0 : index
      %get3A_156 = arith.constant 0 : index
      %get3A_157 = arith.constant 256 : index
      %get3A_158 = vector.load %arg8[%get3A_155, %get3A_156, %get3A_157] : memref<25x125x1024xf32, #tpu.memory_space<vmem>>, vector<25x125x256xf32>
      %iota3A_159 = tpu.iota {dimensions = array<i32: 0>} : vector<25x125x256xi32>
      %iota3A_160 = tpu.iota {dimensions = array<i32: 1>} : vector<25x125x256xi32>
      %mul3A_161 = arith.constant 125 : i32
      %mul3A_162 = vector.broadcast %mul3A_161 : i32 to vector<25x125x256xi32>
      %mul3A_163 = arith.muli %iota3A_159, %mul3A_162 : vector<25x125x256xi32>
      %add3A_164 = arith.addi %mul3A_163, %iota3A_160 : vector<25x125x256xi32>
      %reduce_max3A_165 = arith.constant dense<0xFF800000> : vector<256xf32>
      %reduce_max3A_166 = vector.multi_reduction <maximumf>, %get3A_158, %reduce_max3A_165 [0, 1] : vector<25x125x256xf32> to vector<256xf32>
      %broadcast_in_dim3A_167 = vector.shape_cast %reduce_max3A_166 : vector<256xf32> to vector<1x1x256xf32>
      %eq3A_168 = vector.broadcast %broadcast_in_dim3A_167 : vector<1x1x256xf32> to vector<25x125x256xf32>
      %eq3A_169 = arith.cmpf oeq, %get3A_158, %eq3A_168 : vector<25x125x256xf32>
      %jit3A_170 = arith.constant 3125 : i32
      %broadcast_in_dim3A_171 = vector.broadcast %jit3A_170 : i32 to vector<25x125x256xi32>
      %select_n3A_172 = arith.select %eq3A_169, %add3A_164, %broadcast_in_dim3A_171 : vector<25x125x256xi1>, vector<25x125x256xi32>
      %reduce_min3A_173 = arith.constant dense<2147483647> : vector<256xi32>
      %reduce_min3A_174 = vector.multi_reduction <minsi>, %select_n3A_172, %reduce_min3A_173 [0, 1] : vector<25x125x256xi32> to vector<256xi32>
      %broadcast_in_dim3A_175 = vector.shape_cast %reduce_min3A_174 : vector<256xi32> to vector<1x1x256xi32>
      %eq3A_176 = vector.broadcast %broadcast_in_dim3A_175 : vector<1x1x256xi32> to vector<25x125x256xi32>
      %eq3A_177 = arith.cmpi eq, %add3A_164, %eq3A_176 : vector<25x125x256xi32>
      %jit3A_178 = arith.constant 0xFF800000 : f32
      %broadcast_in_dim3A_179 = vector.broadcast %jit3A_178 : f32 to vector<25x125x256xf32>
      %select_n3A_180 = arith.select %eq3A_177, %broadcast_in_dim3A_179, %get3A_158 : vector<25x125x256xi1>, vector<25x125x256xf32>
      %reduce_max3A_181 = arith.constant dense<0xFF800000> : vector<256xf32>
      %reduce_max3A_182 = vector.multi_reduction <maximumf>, %select_n3A_180, %reduce_max3A_181 [0, 1] : vector<25x125x256xf32> to vector<256xf32>
      %broadcast_in_dim3A_183 = vector.shape_cast %reduce_max3A_182 : vector<256xf32> to vector<1x1x256xf32>
      %eq3A_184 = vector.broadcast %broadcast_in_dim3A_183 : vector<1x1x256xf32> to vector<25x125x256xf32>
      %eq3A_185 = arith.cmpf oeq, %select_n3A_180, %eq3A_184 : vector<25x125x256xf32>
      %jit3A_186 = arith.constant 3125 : i32
      %broadcast_in_dim3A_187 = vector.broadcast %jit3A_186 : i32 to vector<25x125x256xi32>
      %select_n3A_188 = arith.select %eq3A_185, %add3A_164, %broadcast_in_dim3A_187 : vector<25x125x256xi1>, vector<25x125x256xi32>
      %reduce_min3A_189 = arith.constant dense<2147483647> : vector<256xi32>
      %reduce_min3A_190 = vector.multi_reduction <minsi>, %select_n3A_188, %reduce_min3A_189 [0, 1] : vector<25x125x256xi32> to vector<256xi32>
      %broadcast_in_dim3A_191 = vector.shape_cast %reduce_min3A_190 : vector<256xi32> to vector<1x1x256xi32>
      %eq3A_192 = vector.broadcast %broadcast_in_dim3A_191 : vector<1x1x256xi32> to vector<25x125x256xi32>
      %eq3A_193 = arith.cmpi eq, %add3A_164, %eq3A_192 : vector<25x125x256xi32>
      %jit3A_194 = arith.constant 0xFF800000 : f32
      %broadcast_in_dim3A_195 = vector.broadcast %jit3A_194 : f32 to vector<25x125x256xf32>
      %select_n3A_196 = arith.select %eq3A_193, %broadcast_in_dim3A_195, %select_n3A_180 : vector<25x125x256xi1>, vector<25x125x256xf32>
      %reduce_max3A_197 = arith.constant dense<0xFF800000> : vector<256xf32>
      %reduce_max3A_198 = vector.multi_reduction <maximumf>, %select_n3A_196, %reduce_max3A_197 [0, 1] : vector<25x125x256xf32> to vector<256xf32>
      %broadcast_in_dim3A_199 = vector.shape_cast %reduce_max3A_198 : vector<256xf32> to vector<1x1x256xf32>
      %eq3A_200 = vector.broadcast %broadcast_in_dim3A_199 : vector<1x1x256xf32> to vector<25x125x256xf32>
      %eq3A_201 = arith.cmpf oeq, %select_n3A_196, %eq3A_200 : vector<25x125x256xf32>
      %jit3A_202 = arith.constant 3125 : i32
      %broadcast_in_dim3A_203 = vector.broadcast %jit3A_202 : i32 to vector<25x125x256xi32>
      %select_n3A_204 = arith.select %eq3A_201, %add3A_164, %broadcast_in_dim3A_203 : vector<25x125x256xi1>, vector<25x125x256xi32>
      %reduce_min3A_205 = arith.constant dense<2147483647> : vector<256xi32>
      %reduce_min3A_206 = vector.multi_reduction <minsi>, %select_n3A_204, %reduce_min3A_205 [0, 1] : vector<25x125x256xi32> to vector<256xi32>
      %broadcast_in_dim3A_207 = vector.shape_cast %reduce_min3A_206 : vector<256xi32> to vector<1x1x256xi32>
      %eq3A_208 = vector.broadcast %broadcast_in_dim3A_207 : vector<1x1x256xi32> to vector<25x125x256xi32>
      %eq3A_209 = arith.cmpi eq, %add3A_164, %eq3A_208 : vector<25x125x256xi32>
      %jit3A_210 = arith.constant 0xFF800000 : f32
      %broadcast_in_dim3A_211 = vector.broadcast %jit3A_210 : f32 to vector<25x125x256xf32>
      %select_n3A_212 = arith.select %eq3A_209, %broadcast_in_dim3A_211, %select_n3A_196 : vector<25x125x256xi1>, vector<25x125x256xf32>
      %reduce_max3A_213 = arith.constant dense<0xFF800000> : vector<256xf32>
      %reduce_max3A_214 = vector.multi_reduction <maximumf>, %select_n3A_212, %reduce_max3A_213 [0, 1] : vector<25x125x256xf32> to vector<256xf32>
      %broadcast_in_dim3A_215 = vector.shape_cast %reduce_max3A_214 : vector<256xf32> to vector<1x1x256xf32>
      %eq3A_216 = vector.broadcast %broadcast_in_dim3A_215 : vector<1x1x256xf32> to vector<25x125x256xf32>
      %eq3A_217 = arith.cmpf oeq, %select_n3A_212, %eq3A_216 : vector<25x125x256xf32>
      %jit3A_218 = arith.constant 3125 : i32
      %broadcast_in_dim3A_219 = vector.broadcast %jit3A_218 : i32 to vector<25x125x256xi32>
      %select_n3A_220 = arith.select %eq3A_217, %add3A_164, %broadcast_in_dim3A_219 : vector<25x125x256xi1>, vector<25x125x256xi32>
      %reduce_min3A_221 = arith.constant dense<2147483647> : vector<256xi32>
      %reduce_min3A_222 = vector.multi_reduction <minsi>, %select_n3A_220, %reduce_min3A_221 [0, 1] : vector<25x125x256xi32> to vector<256xi32>
      %broadcast_in_dim3A_223 = vector.shape_cast %reduce_min3A_222 : vector<256xi32> to vector<1x1x256xi32>
      %eq3A_224 = vector.broadcast %broadcast_in_dim3A_223 : vector<1x1x256xi32> to vector<25x125x256xi32>
      %eq3A_225 = arith.cmpi eq, %add3A_164, %eq3A_224 : vector<25x125x256xi32>
      %jit3A_226 = arith.constant 0xFF800000 : f32
      %broadcast_in_dim3A_227 = vector.broadcast %jit3A_226 : f32 to vector<25x125x256xf32>
      %select_n3A_228 = arith.select %eq3A_225, %broadcast_in_dim3A_227, %select_n3A_212 : vector<25x125x256xi1>, vector<25x125x256xf32>
      %reduce_max3A_229 = arith.constant dense<0xFF800000> : vector<256xf32>
      %reduce_max3A_230 = vector.multi_reduction <maximumf>, %select_n3A_228, %reduce_max3A_229 [0, 1] : vector<25x125x256xf32> to vector<256xf32>
      %broadcast_in_dim3A_231 = vector.shape_cast %reduce_max3A_230 : vector<256xf32> to vector<1x1x256xf32>
      %eq3A_232 = vector.broadcast %broadcast_in_dim3A_231 : vector<1x1x256xf32> to vector<25x125x256xf32>
      %eq3A_233 = arith.cmpf oeq, %select_n3A_228, %eq3A_232 : vector<25x125x256xf32>
      %jit3A_234 = arith.constant 3125 : i32
      %broadcast_in_dim3A_235 = vector.broadcast %jit3A_234 : i32 to vector<25x125x256xi32>
      %select_n3A_236 = arith.select %eq3A_233, %add3A_164, %broadcast_in_dim3A_235 : vector<25x125x256xi1>, vector<25x125x256xi32>
      %reduce_min3A_237 = arith.constant dense<2147483647> : vector<256xi32>
      %reduce_min3A_238 = vector.multi_reduction <minsi>, %select_n3A_236, %reduce_min3A_237 [0, 1] : vector<25x125x256xi32> to vector<256xi32>
      %broadcast_in_dim3A_239 = vector.shape_cast %reduce_min3A_238 : vector<256xi32> to vector<1x1x256xi32>
      %eq3A_240 = vector.broadcast %broadcast_in_dim3A_239 : vector<1x1x256xi32> to vector<25x125x256xi32>
      %eq3A_241 = arith.cmpi eq, %add3A_164, %eq3A_240 : vector<25x125x256xi32>
      %jit3A_242 = arith.constant 0xFF800000 : f32
      %broadcast_in_dim3A_243 = vector.broadcast %jit3A_242 : f32 to vector<25x125x256xf32>
      %select_n3A_244 = arith.select %eq3A_241, %broadcast_in_dim3A_243, %select_n3A_228 : vector<25x125x256xi1>, vector<25x125x256xf32>
      %reduce_max3A_245 = arith.constant dense<0xFF800000> : vector<256xf32>
      %reduce_max3A_246 = vector.multi_reduction <maximumf>, %select_n3A_244, %reduce_max3A_245 [0, 1] : vector<25x125x256xf32> to vector<256xf32>
      %broadcast_in_dim3A_247 = vector.shape_cast %reduce_max3A_246 : vector<256xf32> to vector<1x1x256xf32>
      %eq3A_248 = vector.broadcast %broadcast_in_dim3A_247 : vector<1x1x256xf32> to vector<25x125x256xf32>
      %eq3A_249 = arith.cmpf oeq, %select_n3A_244, %eq3A_248 : vector<25x125x256xf32>
      %jit3A_250 = arith.constant 3125 : i32
      %broadcast_in_dim3A_251 = vector.broadcast %jit3A_250 : i32 to vector<25x125x256xi32>
      %select_n3A_252 = arith.select %eq3A_249, %add3A_164, %broadcast_in_dim3A_251 : vector<25x125x256xi1>, vector<25x125x256xi32>
      %reduce_min3A_253 = arith.constant dense<2147483647> : vector<256xi32>
      %reduce_min3A_254 = vector.multi_reduction <minsi>, %select_n3A_252, %reduce_min3A_253 [0, 1] : vector<25x125x256xi32> to vector<256xi32>
      %broadcast_in_dim3A_255 = vector.shape_cast %reduce_min3A_254 : vector<256xi32> to vector<1x1x256xi32>
      %eq3A_256 = vector.broadcast %broadcast_in_dim3A_255 : vector<1x1x256xi32> to vector<25x125x256xi32>
      %eq3A_257 = arith.cmpi eq, %add3A_164, %eq3A_256 : vector<25x125x256xi32>
      %jit3A_258 = arith.constant 0xFF800000 : f32
      %broadcast_in_dim3A_259 = vector.broadcast %jit3A_258 : f32 to vector<25x125x256xf32>
      %select_n3A_260 = arith.select %eq3A_257, %broadcast_in_dim3A_259, %select_n3A_244 : vector<25x125x256xi1>, vector<25x125x256xf32>
      %reduce_max3A_261 = arith.constant dense<0xFF800000> : vector<256xf32>
      %reduce_max3A_262 = vector.multi_reduction <maximumf>, %select_n3A_260, %reduce_max3A_261 [0, 1] : vector<25x125x256xf32> to vector<256xf32>
      %broadcast_in_dim3A_263 = vector.shape_cast %reduce_max3A_262 : vector<256xf32> to vector<1x1x256xf32>
      %eq3A_264 = vector.broadcast %broadcast_in_dim3A_263 : vector<1x1x256xf32> to vector<25x125x256xf32>
      %eq3A_265 = arith.cmpf oeq, %select_n3A_260, %eq3A_264 : vector<25x125x256xf32>
      %jit3A_266 = arith.constant 3125 : i32
      %broadcast_in_dim3A_267 = vector.broadcast %jit3A_266 : i32 to vector<25x125x256xi32>
      %select_n3A_268 = arith.select %eq3A_265, %add3A_164, %broadcast_in_dim3A_267 : vector<25x125x256xi1>, vector<25x125x256xi32>
      %reduce_min3A_269 = arith.constant dense<2147483647> : vector<256xi32>
      %reduce_min3A_270 = vector.multi_reduction <minsi>, %select_n3A_268, %reduce_min3A_269 [0, 1] : vector<25x125x256xi32> to vector<256xi32>
      %broadcast_in_dim3A_271 = vector.shape_cast %reduce_min3A_270 : vector<256xi32> to vector<1x1x256xi32>
      %eq3A_272 = vector.broadcast %broadcast_in_dim3A_271 : vector<1x1x256xi32> to vector<25x125x256xi32>
      %eq3A_273 = arith.cmpi eq, %add3A_164, %eq3A_272 : vector<25x125x256xi32>
      %jit3A_274 = arith.constant 0xFF800000 : f32
      %broadcast_in_dim3A_275 = vector.broadcast %jit3A_274 : f32 to vector<25x125x256xf32>
      %select_n3A_276 = arith.select %eq3A_273, %broadcast_in_dim3A_275, %select_n3A_260 : vector<25x125x256xi1>, vector<25x125x256xf32>
      %reduce_max3A_277 = arith.constant dense<0xFF800000> : vector<256xf32>
      %reduce_max3A_278 = vector.multi_reduction <maximumf>, %select_n3A_276, %reduce_max3A_277 [0, 1] : vector<25x125x256xf32> to vector<256xf32>
      %broadcast_in_dim3A_279 = vector.shape_cast %reduce_max3A_278 : vector<256xf32> to vector<1x1x256xf32>
      %eq3A_280 = vector.broadcast %broadcast_in_dim3A_279 : vector<1x1x256xf32> to vector<25x125x256xf32>
      %eq3A_281 = arith.cmpf oeq, %select_n3A_276, %eq3A_280 : vector<25x125x256xf32>
      %jit3A_282 = arith.constant 3125 : i32
      %broadcast_in_dim3A_283 = vector.broadcast %jit3A_282 : i32 to vector<25x125x256xi32>
      %select_n3A_284 = arith.select %eq3A_281, %add3A_164, %broadcast_in_dim3A_283 : vector<25x125x256xi1>, vector<25x125x256xi32>
      %reduce_min3A_285 = arith.constant dense<2147483647> : vector<256xi32>
      %reduce_min3A_286 = vector.multi_reduction <minsi>, %select_n3A_284, %reduce_min3A_285 [0, 1] : vector<25x125x256xi32> to vector<256xi32>
      %stack3A_287 = vector.shape_cast %reduce_min3A_174 : vector<256xi32> to vector<1x256xi32>
      %stack3A_288 = vector.shape_cast %reduce_min3A_190 : vector<256xi32> to vector<1x256xi32>
      %stack3A_289 = vector.shape_cast %reduce_min3A_206 : vector<256xi32> to vector<1x256xi32>
      %stack3A_290 = vector.shape_cast %reduce_min3A_222 : vector<256xi32> to vector<1x256xi32>
      %stack3A_291 = vector.shape_cast %reduce_min3A_238 : vector<256xi32> to vector<1x256xi32>
      %stack3A_292 = vector.shape_cast %reduce_min3A_254 : vector<256xi32> to vector<1x256xi32>
      %stack3A_293 = vector.shape_cast %reduce_min3A_270 : vector<256xi32> to vector<1x256xi32>
      %stack3A_294 = vector.shape_cast %reduce_min3A_286 : vector<256xi32> to vector<1x256xi32>
      %stack3A_295 = tpu.concatenate %stack3A_287, %stack3A_288, %stack3A_289, %stack3A_290, %stack3A_291, %stack3A_292, %stack3A_293, %stack3A_294 in 0 : vector<1x256xi32>, vector<1x256xi32>, vector<1x256xi32>, vector<1x256xi32>, vector<1x256xi32>, vector<1x256xi32>, vector<1x256xi32>, vector<1x256xi32> -> vector<8x256xi32>
      %swap3A_296 = arith.constant 0 : index
      %swap3A_297 = arith.constant 256 : index
      %swap3A_298 = vector.load %arg6[%swap3A_296, %swap3A_297] : memref<8x1024xi32, #tpu.memory_space<vmem>>, vector<8x256xi32>
      tpu.vector_store %arg6[%swap3A_296, %swap3A_297], %stack3A_295 {strides = array<i32>} : memref<8x1024xi32, #tpu.memory_space<vmem>>, vector<8x256xi32>,
      %get3A_299 = arith.constant 0 : index
      %get3A_300 = arith.constant 0 : index
      %get3A_301 = arith.constant 512 : index
      %get3A_302 = vector.load %arg8[%get3A_299, %get3A_300, %get3A_301] : memref<25x125x1024xf32, #tpu.memory_space<vmem>>, vector<25x125x256xf32>
      %iota3A_303 = tpu.iota {dimensions = array<i32: 0>} : vector<25x125x256xi32>
      %iota3A_304 = tpu.iota {dimensions = array<i32: 1>} : vector<25x125x256xi32>
      %mul3A_305 = arith.constant 125 : i32
      %mul3A_306 = vector.broadcast %mul3A_305 : i32 to vector<25x125x256xi32>
      %mul3A_307 = arith.muli %iota3A_303, %mul3A_306 : vector<25x125x256xi32>
      %add3A_308 = arith.addi %mul3A_307, %iota3A_304 : vector<25x125x256xi32>
      %reduce_max3A_309 = arith.constant dense<0xFF800000> : vector<256xf32>
      %reduce_max3A_310 = vector.multi_reduction <maximumf>, %get3A_302, %reduce_max3A_309 [0, 1] : vector<25x125x256xf32> to vector<256xf32>
      %broadcast_in_dim3A_311 = vector.shape_cast %reduce_max3A_310 : vector<256xf32> to vector<1x1x256xf32>
      %eq3A_312 = vector.broadcast %broadcast_in_dim3A_311 : vector<1x1x256xf32> to vector<25x125x256xf32>
      %eq3A_313 = arith.cmpf oeq, %get3A_302, %eq3A_312 : vector<25x125x256xf32>
      %jit3A_314 = arith.constant 3125 : i32
      %broadcast_in_dim3A_315 = vector.broadcast %jit3A_314 : i32 to vector<25x125x256xi32>
      %select_n3A_316 = arith.select %eq3A_313, %add3A_308, %broadcast_in_dim3A_315 : vector<25x125x256xi1>, vector<25x125x256xi32>
      %reduce_min3A_317 = arith.constant dense<2147483647> : vector<256xi32>
      %reduce_min3A_318 = vector.multi_reduction <minsi>, %select_n3A_316, %reduce_min3A_317 [0, 1] : vector<25x125x256xi32> to vector<256xi32>
      %broadcast_in_dim3A_319 = vector.shape_cast %reduce_min3A_318 : vector<256xi32> to vector<1x1x256xi32>
      %eq3A_320 = vector.broadcast %broadcast_in_dim3A_319 : vector<1x1x256xi32> to vector<25x125x256xi32>
      %eq3A_321 = arith.cmpi eq, %add3A_308, %eq3A_320 : vector<25x125x256xi32>
      %jit3A_322 = arith.constant 0xFF800000 : f32
      %broadcast_in_dim3A_323 = vector.broadcast %jit3A_322 : f32 to vector<25x125x256xf32>
      %select_n3A_324 = arith.select %eq3A_321, %broadcast_in_dim3A_323, %get3A_302 : vector<25x125x256xi1>, vector<25x125x256xf32>
      %reduce_max3A_325 = arith.constant dense<0xFF800000> : vector<256xf32>
      %reduce_max3A_326 = vector.multi_reduction <maximumf>, %select_n3A_324, %reduce_max3A_325 [0, 1] : vector<25x125x256xf32> to vector<256xf32>
      %broadcast_in_dim3A_327 = vector.shape_cast %reduce_max3A_326 : vector<256xf32> to vector<1x1x256xf32>
      %eq3A_328 = vector.broadcast %broadcast_in_dim3A_327 : vector<1x1x256xf32> to vector<25x125x256xf32>
      %eq3A_329 = arith.cmpf oeq, %select_n3A_324, %eq3A_328 : vector<25x125x256xf32>
      %jit3A_330 = arith.constant 3125 : i32
      %broadcast_in_dim3A_331 = vector.broadcast %jit3A_330 : i32 to vector<25x125x256xi32>
      %select_n3A_332 = arith.select %eq3A_329, %add3A_308, %broadcast_in_dim3A_331 : vector<25x125x256xi1>, vector<25x125x256xi32>
      %reduce_min3A_333 = arith.constant dense<2147483647> : vector<256xi32>
      %reduce_min3A_334 = vector.multi_reduction <minsi>, %select_n3A_332, %reduce_min3A_333 [0, 1] : vector<25x125x256xi32> to vector<256xi32>
      %broadcast_in_dim3A_335 = vector.shape_cast %reduce_min3A_334 : vector<256xi32> to vector<1x1x256xi32>
      %eq3A_336 = vector.broadcast %broadcast_in_dim3A_335 : vector<1x1x256xi32> to vector<25x125x256xi32>
      %eq3A_337 = arith.cmpi eq, %add3A_308, %eq3A_336 : vector<25x125x256xi32>
      %jit3A_338 = arith.constant 0xFF800000 : f32
      %broadcast_in_dim3A_339 = vector.broadcast %jit3A_338 : f32 to vector<25x125x256xf32>
      %select_n3A_340 = arith.select %eq3A_337, %broadcast_in_dim3A_339, %select_n3A_324 : vector<25x125x256xi1>, vector<25x125x256xf32>
      %reduce_max3A_341 = arith.constant dense<0xFF800000> : vector<256xf32>
      %reduce_max3A_342 = vector.multi_reduction <maximumf>, %select_n3A_340, %reduce_max3A_341 [0, 1] : vector<25x125x256xf32> to vector<256xf32>
      %broadcast_in_dim3A_343 = vector.shape_cast %reduce_max3A_342 : vector<256xf32> to vector<1x1x256xf32>
      %eq3A_344 = vector.broadcast %broadcast_in_dim3A_343 : vector<1x1x256xf32> to vector<25x125x256xf32>
      %eq3A_345 = arith.cmpf oeq, %select_n3A_340, %eq3A_344 : vector<25x125x256xf32>
      %jit3A_346 = arith.constant 3125 : i32
      %broadcast_in_dim3A_347 = vector.broadcast %jit3A_346 : i32 to vector<25x125x256xi32>
      %select_n3A_348 = arith.select %eq3A_345, %add3A_308, %broadcast_in_dim3A_347 : vector<25x125x256xi1>, vector<25x125x256xi32>
      %reduce_min3A_349 = arith.constant dense<2147483647> : vector<256xi32>
      %reduce_min3A_350 = vector.multi_reduction <minsi>, %select_n3A_348, %reduce_min3A_349 [0, 1] : vector<25x125x256xi32> to vector<256xi32>
      %broadcast_in_dim3A_351 = vector.shape_cast %reduce_min3A_350 : vector<256xi32> to vector<1x1x256xi32>
      %eq3A_352 = vector.broadcast %broadcast_in_dim3A_351 : vector<1x1x256xi32> to vector<25x125x256xi32>
      %eq3A_353 = arith.cmpi eq, %add3A_308, %eq3A_352 : vector<25x125x256xi32>
      %jit3A_354 = arith.constant 0xFF800000 : f32
      %broadcast_in_dim3A_355 = vector.broadcast %jit3A_354 : f32 to vector<25x125x256xf32>
      %select_n3A_356 = arith.select %eq3A_353, %broadcast_in_dim3A_355, %select_n3A_340 : vector<25x125x256xi1>, vector<25x125x256xf32>
      %reduce_max3A_357 = arith.constant dense<0xFF800000> : vector<256xf32>
      %reduce_max3A_358 = vector.multi_reduction <maximumf>, %select_n3A_356, %reduce_max3A_357 [0, 1] : vector<25x125x256xf32> to vector<256xf32>
      %broadcast_in_dim3A_359 = vector.shape_cast %reduce_max3A_358 : vector<256xf32> to vector<1x1x256xf32>
      %eq3A_360 = vector.broadcast %broadcast_in_dim3A_359 : vector<1x1x256xf32> to vector<25x125x256xf32>
      %eq3A_361 = arith.cmpf oeq, %select_n3A_356, %eq3A_360 : vector<25x125x256xf32>
      %jit3A_362 = arith.constant 3125 : i32
      %broadcast_in_dim3A_363 = vector.broadcast %jit3A_362 : i32 to vector<25x125x256xi32>
      %select_n3A_364 = arith.select %eq3A_361, %add3A_308, %broadcast_in_dim3A_363 : vector<25x125x256xi1>, vector<25x125x256xi32>
      %reduce_min3A_365 = arith.constant dense<2147483647> : vector<256xi32>
      %reduce_min3A_366 = vector.multi_reduction <minsi>, %select_n3A_364, %reduce_min3A_365 [0, 1] : vector<25x125x256xi32> to vector<256xi32>
      %broadcast_in_dim3A_367 = vector.shape_cast %reduce_min3A_366 : vector<256xi32> to vector<1x1x256xi32>
      %eq3A_368 = vector.broadcast %broadcast_in_dim3A_367 : vector<1x1x256xi32> to vector<25x125x256xi32>
      %eq3A_369 = arith.cmpi eq, %add3A_308, %eq3A_368 : vector<25x125x256xi32>
      %jit3A_370 = arith.constant 0xFF800000 : f32
      %broadcast_in_dim3A_371 = vector.broadcast %jit3A_370 : f32 to vector<25x125x256xf32>
      %select_n3A_372 = arith.select %eq3A_369, %broadcast_in_dim3A_371, %select_n3A_356 : vector<25x125x256xi1>, vector<25x125x256xf32>
      %reduce_max3A_373 = arith.constant dense<0xFF800000> : vector<256xf32>
      %reduce_max3A_374 = vector.multi_reduction <maximumf>, %select_n3A_372, %reduce_max3A_373 [0, 1] : vector<25x125x256xf32> to vector<256xf32>
      %broadcast_in_dim3A_375 = vector.shape_cast %reduce_max3A_374 : vector<256xf32> to vector<1x1x256xf32>
      %eq3A_376 = vector.broadcast %broadcast_in_dim3A_375 : vector<1x1x256xf32> to vector<25x125x256xf32>
      %eq3A_377 = arith.cmpf oeq, %select_n3A_372, %eq3A_376 : vector<25x125x256xf32>
      %jit3A_378 = arith.constant 3125 : i32
      %broadcast_in_dim3A_379 = vector.broadcast %jit3A_378 : i32 to vector<25x125x256xi32>
      %select_n3A_380 = arith.select %eq3A_377, %add3A_308, %broadcast_in_dim3A_379 : vector<25x125x256xi1>, vector<25x125x256xi32>
      %reduce_min3A_381 = arith.constant dense<2147483647> : vector<256xi32>
      %reduce_min3A_382 = vector.multi_reduction <minsi>, %select_n3A_380, %reduce_min3A_381 [0, 1] : vector<25x125x256xi32> to vector<256xi32>
      %broadcast_in_dim3A_383 = vector.shape_cast %reduce_min3A_382 : vector<256xi32> to vector<1x1x256xi32>
      %eq3A_384 = vector.broadcast %broadcast_in_dim3A_383 : vector<1x1x256xi32> to vector<25x125x256xi32>
      %eq3A_385 = arith.cmpi eq, %add3A_308, %eq3A_384 : vector<25x125x256xi32>
      %jit3A_386 = arith.constant 0xFF800000 : f32
      %broadcast_in_dim3A_387 = vector.broadcast %jit3A_386 : f32 to vector<25x125x256xf32>
      %select_n3A_388 = arith.select %eq3A_385, %broadcast_in_dim3A_387, %select_n3A_372 : vector<25x125x256xi1>, vector<25x125x256xf32>
      %reduce_max3A_389 = arith.constant dense<0xFF800000> : vector<256xf32>
      %reduce_max3A_390 = vector.multi_reduction <maximumf>, %select_n3A_388, %reduce_max3A_389 [0, 1] : vector<25x125x256xf32> to vector<256xf32>
      %broadcast_in_dim3A_391 = vector.shape_cast %reduce_max3A_390 : vector<256xf32> to vector<1x1x256xf32>
      %eq3A_392 = vector.broadcast %broadcast_in_dim3A_391 : vector<1x1x256xf32> to vector<25x125x256xf32>
      %eq3A_393 = arith.cmpf oeq, %select_n3A_388, %eq3A_392 : vector<25x125x256xf32>
      %jit3A_394 = arith.constant 3125 : i32
      %broadcast_in_dim3A_395 = vector.broadcast %jit3A_394 : i32 to vector<25x125x256xi32>
      %select_n3A_396 = arith.select %eq3A_393, %add3A_308, %broadcast_in_dim3A_395 : vector<25x125x256xi1>, vector<25x125x256xi32>
      %reduce_min3A_397 = arith.constant dense<2147483647> : vector<256xi32>
      %reduce_min3A_398 = vector.multi_reduction <minsi>, %select_n3A_396, %reduce_min3A_397 [0, 1] : vector<25x125x256xi32> to vector<256xi32>
      %broadcast_in_dim3A_399 = vector.shape_cast %reduce_min3A_398 : vector<256xi32> to vector<1x1x256xi32>
      %eq3A_400 = vector.broadcast %broadcast_in_dim3A_399 : vector<1x1x256xi32> to vector<25x125x256xi32>
      %eq3A_401 = arith.cmpi eq, %add3A_308, %eq3A_400 : vector<25x125x256xi32>
      %jit3A_402 = arith.constant 0xFF800000 : f32
      %broadcast_in_dim3A_403 = vector.broadcast %jit3A_402 : f32 to vector<25x125x256xf32>
      %select_n3A_404 = arith.select %eq3A_401, %broadcast_in_dim3A_403, %select_n3A_388 : vector<25x125x256xi1>, vector<25x125x256xf32>
      %reduce_max3A_405 = arith.constant dense<0xFF800000> : vector<256xf32>
      %reduce_max3A_406 = vector.multi_reduction <maximumf>, %select_n3A_404, %reduce_max3A_405 [0, 1] : vector<25x125x256xf32> to vector<256xf32>
      %broadcast_in_dim3A_407 = vector.shape_cast %reduce_max3A_406 : vector<256xf32> to vector<1x1x256xf32>
      %eq3A_408 = vector.broadcast %broadcast_in_dim3A_407 : vector<1x1x256xf32> to vector<25x125x256xf32>
      %eq3A_409 = arith.cmpf oeq, %select_n3A_404, %eq3A_408 : vector<25x125x256xf32>
      %jit3A_410 = arith.constant 3125 : i32
      %broadcast_in_dim3A_411 = vector.broadcast %jit3A_410 : i32 to vector<25x125x256xi32>
      %select_n3A_412 = arith.select %eq3A_409, %add3A_308, %broadcast_in_dim3A_411 : vector<25x125x256xi1>, vector<25x125x256xi32>
      %reduce_min3A_413 = arith.constant dense<2147483647> : vector<256xi32>
      %reduce_min3A_414 = vector.multi_reduction <minsi>, %select_n3A_412, %reduce_min3A_413 [0, 1] : vector<25x125x256xi32> to vector<256xi32>
      %broadcast_in_dim3A_415 = vector.shape_cast %reduce_min3A_414 : vector<256xi32> to vector<1x1x256xi32>
      %eq3A_416 = vector.broadcast %broadcast_in_dim3A_415 : vector<1x1x256xi32> to vector<25x125x256xi32>
      %eq3A_417 = arith.cmpi eq, %add3A_308, %eq3A_416 : vector<25x125x256xi32>
      %jit3A_418 = arith.constant 0xFF800000 : f32
      %broadcast_in_dim3A_419 = vector.broadcast %jit3A_418 : f32 to vector<25x125x256xf32>
      %select_n3A_420 = arith.select %eq3A_417, %broadcast_in_dim3A_419, %select_n3A_404 : vector<25x125x256xi1>, vector<25x125x256xf32>
      %reduce_max3A_421 = arith.constant dense<0xFF800000> : vector<256xf32>
      %reduce_max3A_422 = vector.multi_reduction <maximumf>, %select_n3A_420, %reduce_max3A_421 [0, 1] : vector<25x125x256xf32> to vector<256xf32>
      %broadcast_in_dim3A_423 = vector.shape_cast %reduce_max3A_422 : vector<256xf32> to vector<1x1x256xf32>
      %eq3A_424 = vector.broadcast %broadcast_in_dim3A_423 : vector<1x1x256xf32> to vector<25x125x256xf32>
      %eq3A_425 = arith.cmpf oeq, %select_n3A_420, %eq3A_424 : vector<25x125x256xf32>
      %jit3A_426 = arith.constant 3125 : i32
      %broadcast_in_dim3A_427 = vector.broadcast %jit3A_426 : i32 to vector<25x125x256xi32>
      %select_n3A_428 = arith.select %eq3A_425, %add3A_308, %broadcast_in_dim3A_427 : vector<25x125x256xi1>, vector<25x125x256xi32>
      %reduce_min3A_429 = arith.constant dense<2147483647> : vector<256xi32>
      %reduce_min3A_430 = vector.multi_reduction <minsi>, %select_n3A_428, %reduce_min3A_429 [0, 1] : vector<25x125x256xi32> to vector<256xi32>
      %stack3A_431 = vector.shape_cast %reduce_min3A_318 : vector<256xi32> to vector<1x256xi32>
      %stack3A_432 = vector.shape_cast %reduce_min3A_334 : vector<256xi32> to vector<1x256xi32>
      %stack3A_433 = vector.shape_cast %reduce_min3A_350 : vector<256xi32> to vector<1x256xi32>
      %stack3A_434 = vector.shape_cast %reduce_min3A_366 : vector<256xi32> to vector<1x256xi32>
      %stack3A_435 = vector.shape_cast %reduce_min3A_382 : vector<256xi32> to vector<1x256xi32>
      %stack3A_436 = vector.shape_cast %reduce_min3A_398 : vector<256xi32> to vector<1x256xi32>
      %stack3A_437 = vector.shape_cast %reduce_min3A_414 : vector<256xi32> to vector<1x256xi32>
      %stack3A_438 = vector.shape_cast %reduce_min3A_430 : vector<256xi32> to vector<1x256xi32>
      %stack3A_439 = tpu.concatenate %stack3A_431, %stack3A_432, %stack3A_433, %stack3A_434, %stack3A_435, %stack3A_436, %stack3A_437, %stack3A_438 in 0 : vector<1x256xi32>, vector<1x256xi32>, vector<1x256xi32>, vector<1x256xi32>, vector<1x256xi32>, vector<1x256xi32>, vector<1x256xi32>, vector<1x256xi32> -> vector<8x256xi32>
      %swap3A_440 = arith.constant 0 : index
      %swap3A_441 = arith.constant 512 : index
      %swap3A_442 = vector.load %arg6[%swap3A_440, %swap3A_441] : memref<8x1024xi32, #tpu.memory_space<vmem>>, vector<8x256xi32>
      tpu.vector_store %arg6[%swap3A_440, %swap3A_441], %stack3A_439 {strides = array<i32>} : memref<8x1024xi32, #tpu.memory_space<vmem>>, vector<8x256xi32>,
      %get3A_443 = arith.constant 0 : index
      %get3A_444 = arith.constant 0 : index
      %get3A_445 = arith.constant 768 : index
      %get3A_446 = vector.load %arg8[%get3A_443, %get3A_444, %get3A_445] : memref<25x125x1024xf32, #tpu.memory_space<vmem>>, vector<25x125x256xf32>
      %iota3A_447 = tpu.iota {dimensions = array<i32: 0>} : vector<25x125x256xi32>
      %iota3A_448 = tpu.iota {dimensions = array<i32: 1>} : vector<25x125x256xi32>
      %mul3A_449 = arith.constant 125 : i32
      %mul3A_450 = vector.broadcast %mul3A_449 : i32 to vector<25x125x256xi32>
      %mul3A_451 = arith.muli %iota3A_447, %mul3A_450 : vector<25x125x256xi32>
      %add3A_452 = arith.addi %mul3A_451, %iota3A_448 : vector<25x125x256xi32>
      %reduce_max3A_453 = arith.constant dense<0xFF800000> : vector<256xf32>
      %reduce_max3A_454 = vector.multi_reduction <maximumf>, %get3A_446, %reduce_max3A_453 [0, 1] : vector<25x125x256xf32> to vector<256xf32>
      %broadcast_in_dim3A_455 = vector.shape_cast %reduce_max3A_454 : vector<256xf32> to vector<1x1x256xf32>
      %eq3A_456 = vector.broadcast %broadcast_in_dim3A_455 : vector<1x1x256xf32> to vector<25x125x256xf32>
      %eq3A_457 = arith.cmpf oeq, %get3A_446, %eq3A_456 : vector<25x125x256xf32>
      %jit3A_458 = arith.constant 3125 : i32
      %broadcast_in_dim3A_459 = vector.broadcast %jit3A_458 : i32 to vector<25x125x256xi32>
      %select_n3A_460 = arith.select %eq3A_457, %add3A_452, %broadcast_in_dim3A_459 : vector<25x125x256xi1>, vector<25x125x256xi32>
      %reduce_min3A_461 = arith.constant dense<2147483647> : vector<256xi32>
      %reduce_min3A_462 = vector.multi_reduction <minsi>, %select_n3A_460, %reduce_min3A_461 [0, 1] : vector<25x125x256xi32> to vector<256xi32>
      %broadcast_in_dim3A_463 = vector.shape_cast %reduce_min3A_462 : vector<256xi32> to vector<1x1x256xi32>
      %eq3A_464 = vector.broadcast %broadcast_in_dim3A_463 : vector<1x1x256xi32> to vector<25x125x256xi32>
      %eq3A_465 = arith.cmpi eq, %add3A_452, %eq3A_464 : vector<25x125x256xi32>
      %jit3A_466 = arith.constant 0xFF800000 : f32
      %broadcast_in_dim3A_467 = vector.broadcast %jit3A_466 : f32 to vector<25x125x256xf32>
      %select_n3A_468 = arith.select %eq3A_465, %broadcast_in_dim3A_467, %get3A_446 : vector<25x125x256xi1>, vector<25x125x256xf32>
      %reduce_max3A_469 = arith.constant dense<0xFF800000> : vector<256xf32>
      %reduce_max3A_470 = vector.multi_reduction <maximumf>, %select_n3A_468, %reduce_max3A_469 [0, 1] : vector<25x125x256xf32> to vector<256xf32>
      %broadcast_in_dim3A_471 = vector.shape_cast %reduce_max3A_470 : vector<256xf32> to vector<1x1x256xf32>
      %eq3A_472 = vector.broadcast %broadcast_in_dim3A_471 : vector<1x1x256xf32> to vector<25x125x256xf32>
      %eq3A_473 = arith.cmpf oeq, %select_n3A_468, %eq3A_472 : vector<25x125x256xf32>
      %jit3A_474 = arith.constant 3125 : i32
      %broadcast_in_dim3A_475 = vector.broadcast %jit3A_474 : i32 to vector<25x125x256xi32>
      %select_n3A_476 = arith.select %eq3A_473, %add3A_452, %broadcast_in_dim3A_475 : vector<25x125x256xi1>, vector<25x125x256xi32>
      %reduce_min3A_477 = arith.constant dense<2147483647> : vector<256xi32>
      %reduce_min3A_478 = vector.multi_reduction <minsi>, %select_n3A_476, %reduce_min3A_477 [0, 1] : vector<25x125x256xi32> to vector<256xi32>
      %broadcast_in_dim3A_479 = vector.shape_cast %reduce_min3A_478 : vector<256xi32> to vector<1x1x256xi32>
      %eq3A_480 = vector.broadcast %broadcast_in_dim3A_479 : vector<1x1x256xi32> to vector<25x125x256xi32>
      %eq3A_481 = arith.cmpi eq, %add3A_452, %eq3A_480 : vector<25x125x256xi32>
      %jit3A_482 = arith.constant 0xFF800000 : f32
      %broadcast_in_dim3A_483 = vector.broadcast %jit3A_482 : f32 to vector<25x125x256xf32>
      %select_n3A_484 = arith.select %eq3A_481, %broadcast_in_dim3A_483, %select_n3A_468 : vector<25x125x256xi1>, vector<25x125x256xf32>
      %reduce_max3A_485 = arith.constant dense<0xFF800000> : vector<256xf32>
      %reduce_max3A_486 = vector.multi_reduction <maximumf>, %select_n3A_484, %reduce_max3A_485 [0, 1] : vector<25x125x256xf32> to vector<256xf32>
      %broadcast_in_dim3A_487 = vector.shape_cast %reduce_max3A_486 : vector<256xf32> to vector<1x1x256xf32>
      %eq3A_488 = vector.broadcast %broadcast_in_dim3A_487 : vector<1x1x256xf32> to vector<25x125x256xf32>
      %eq3A_489 = arith.cmpf oeq, %select_n3A_484, %eq3A_488 : vector<25x125x256xf32>
      %jit3A_490 = arith.constant 3125 : i32
      %broadcast_in_dim3A_491 = vector.broadcast %jit3A_490 : i32 to vector<25x125x256xi32>
      %select_n3A_492 = arith.select %eq3A_489, %add3A_452, %broadcast_in_dim3A_491 : vector<25x125x256xi1>, vector<25x125x256xi32>
      %reduce_min3A_493 = arith.constant dense<2147483647> : vector<256xi32>
      %reduce_min3A_494 = vector.multi_reduction <minsi>, %select_n3A_492, %reduce_min3A_493 [0, 1] : vector<25x125x256xi32> to vector<256xi32>
      %broadcast_in_dim3A_495 = vector.shape_cast %reduce_min3A_494 : vector<256xi32> to vector<1x1x256xi32>
      %eq3A_496 = vector.broadcast %broadcast_in_dim3A_495 : vector<1x1x256xi32> to vector<25x125x256xi32>
      %eq3A_497 = arith.cmpi eq, %add3A_452, %eq3A_496 : vector<25x125x256xi32>
      %jit3A_498 = arith.constant 0xFF800000 : f32
      %broadcast_in_dim3A_499 = vector.broadcast %jit3A_498 : f32 to vector<25x125x256xf32>
      %select_n3A_500 = arith.select %eq3A_497, %broadcast_in_dim3A_499, %select_n3A_484 : vector<25x125x256xi1>, vector<25x125x256xf32>
      %reduce_max3A_501 = arith.constant dense<0xFF800000> : vector<256xf32>
      %reduce_max3A_502 = vector.multi_reduction <maximumf>, %select_n3A_500, %reduce_max3A_501 [0, 1] : vector<25x125x256xf32> to vector<256xf32>
      %broadcast_in_dim3A_503 = vector.shape_cast %reduce_max3A_502 : vector<256xf32> to vector<1x1x256xf32>
      %eq3A_504 = vector.broadcast %broadcast_in_dim3A_503 : vector<1x1x256xf32> to vector<25x125x256xf32>
      %eq3A_505 = arith.cmpf oeq, %select_n3A_500, %eq3A_504 : vector<25x125x256xf32>
      %jit3A_506 = arith.constant 3125 : i32
      %broadcast_in_dim3A_507 = vector.broadcast %jit3A_506 : i32 to vector<25x125x256xi32>
      %select_n3A_508 = arith.select %eq3A_505, %add3A_452, %broadcast_in_dim3A_507 : vector<25x125x256xi1>, vector<25x125x256xi32>
      %reduce_min3A_509 = arith.constant dense<2147483647> : vector<256xi32>
      %reduce_min3A_510 = vector.multi_reduction <minsi>, %select_n3A_508, %reduce_min3A_509 [0, 1] : vector<25x125x256xi32> to vector<256xi32>
      %broadcast_in_dim3A_511 = vector.shape_cast %reduce_min3A_510 : vector<256xi32> to vector<1x1x256xi32>
      %eq3A_512 = vector.broadcast %broadcast_in_dim3A_511 : vector<1x1x256xi32> to vector<25x125x256xi32>
      %eq3A_513 = arith.cmpi eq, %add3A_452, %eq3A_512 : vector<25x125x256xi32>
      %jit3A_514 = arith.constant 0xFF800000 : f32
      %broadcast_in_dim3A_515 = vector.broadcast %jit3A_514 : f32 to vector<25x125x256xf32>
      %select_n3A_516 = arith.select %eq3A_513, %broadcast_in_dim3A_515, %select_n3A_500 : vector<25x125x256xi1>, vector<25x125x256xf32>
      %reduce_max3A_517 = arith.constant dense<0xFF800000> : vector<256xf32>
      %reduce_max3A_518 = vector.multi_reduction <maximumf>, %select_n3A_516, %reduce_max3A_517 [0, 1] : vector<25x125x256xf32> to vector<256xf32>
      %broadcast_in_dim3A_519 = vector.shape_cast %reduce_max3A_518 : vector<256xf32> to vector<1x1x256xf32>
      %eq3A_520 = vector.broadcast %broadcast_in_dim3A_519 : vector<1x1x256xf32> to vector<25x125x256xf32>
      %eq3A_521 = arith.cmpf oeq, %select_n3A_516, %eq3A_520 : vector<25x125x256xf32>
      %jit3A_522 = arith.constant 3125 : i32
      %broadcast_in_dim3A_523 = vector.broadcast %jit3A_522 : i32 to vector<25x125x256xi32>
      %select_n3A_524 = arith.select %eq3A_521, %add3A_452, %broadcast_in_dim3A_523 : vector<25x125x256xi1>, vector<25x125x256xi32>
      %reduce_min3A_525 = arith.constant dense<2147483647> : vector<256xi32>
      %reduce_min3A_526 = vector.multi_reduction <minsi>, %select_n3A_524, %reduce_min3A_525 [0, 1] : vector<25x125x256xi32> to vector<256xi32>
      %broadcast_in_dim3A_527 = vector.shape_cast %reduce_min3A_526 : vector<256xi32> to vector<1x1x256xi32>
      %eq3A_528 = vector.broadcast %broadcast_in_dim3A_527 : vector<1x1x256xi32> to vector<25x125x256xi32>
      %eq3A_529 = arith.cmpi eq, %add3A_452, %eq3A_528 : vector<25x125x256xi32>
      %jit3A_530 = arith.constant 0xFF800000 : f32
      %broadcast_in_dim3A_531 = vector.broadcast %jit3A_530 : f32 to vector<25x125x256xf32>
      %select_n3A_532 = arith.select %eq3A_529, %broadcast_in_dim3A_531, %select_n3A_516 : vector<25x125x256xi1>, vector<25x125x256xf32>
      %reduce_max3A_533 = arith.constant dense<0xFF800000> : vector<256xf32>
      %reduce_max3A_534 = vector.multi_reduction <maximumf>, %select_n3A_532, %reduce_max3A_533 [0, 1] : vector<25x125x256xf32> to vector<256xf32>
      %broadcast_in_dim3A_535 = vector.shape_cast %reduce_max3A_534 : vector<256xf32> to vector<1x1x256xf32>
      %eq3A_536 = vector.broadcast %broadcast_in_dim3A_535 : vector<1x1x256xf32> to vector<25x125x256xf32>
      %eq3A_537 = arith.cmpf oeq, %select_n3A_532, %eq3A_536 : vector<25x125x256xf32>
      %jit3A_538 = arith.constant 3125 : i32
      %broadcast_in_dim3A_539 = vector.broadcast %jit3A_538 : i32 to vector<25x125x256xi32>
      %select_n3A_540 = arith.select %eq3A_537, %add3A_452, %broadcast_in_dim3A_539 : vector<25x125x256xi1>, vector<25x125x256xi32>
      %reduce_min3A_541 = arith.constant dense<2147483647> : vector<256xi32>
      %reduce_min3A_542 = vector.multi_reduction <minsi>, %select_n3A_540, %reduce_min3A_541 [0, 1] : vector<25x125x256xi32> to vector<256xi32>
      %broadcast_in_dim3A_543 = vector.shape_cast %reduce_min3A_542 : vector<256xi32> to vector<1x1x256xi32>
      %eq3A_544 = vector.broadcast %broadcast_in_dim3A_543 : vector<1x1x256xi32> to vector<25x125x256xi32>
      %eq3A_545 = arith.cmpi eq, %add3A_452, %eq3A_544 : vector<25x125x256xi32>
      %jit3A_546 = arith.constant 0xFF800000 : f32
      %broadcast_in_dim3A_547 = vector.broadcast %jit3A_546 : f32 to vector<25x125x256xf32>
      %select_n3A_548 = arith.select %eq3A_545, %broadcast_in_dim3A_547, %select_n3A_532 : vector<25x125x256xi1>, vector<25x125x256xf32>
      %reduce_max3A_549 = arith.constant dense<0xFF800000> : vector<256xf32>
      %reduce_max3A_550 = vector.multi_reduction <maximumf>, %select_n3A_548, %reduce_max3A_549 [0, 1] : vector<25x125x256xf32> to vector<256xf32>
      %broadcast_in_dim3A_551 = vector.shape_cast %reduce_max3A_550 : vector<256xf32> to vector<1x1x256xf32>
      %eq3A_552 = vector.broadcast %broadcast_in_dim3A_551 : vector<1x1x256xf32> to vector<25x125x256xf32>
      %eq3A_553 = arith.cmpf oeq, %select_n3A_548, %eq3A_552 : vector<25x125x256xf32>
      %jit3A_554 = arith.constant 3125 : i32
      %broadcast_in_dim3A_555 = vector.broadcast %jit3A_554 : i32 to vector<25x125x256xi32>
      %select_n3A_556 = arith.select %eq3A_553, %add3A_452, %broadcast_in_dim3A_555 : vector<25x125x256xi1>, vector<25x125x256xi32>
      %reduce_min3A_557 = arith.constant dense<2147483647> : vector<256xi32>
      %reduce_min3A_558 = vector.multi_reduction <minsi>, %select_n3A_556, %reduce_min3A_557 [0, 1] : vector<25x125x256xi32> to vector<256xi32>
      %broadcast_in_dim3A_559 = vector.shape_cast %reduce_min3A_558 : vector<256xi32> to vector<1x1x256xi32>
      %eq3A_560 = vector.broadcast %broadcast_in_dim3A_559 : vector<1x1x256xi32> to vector<25x125x256xi32>
      %eq3A_561 = arith.cmpi eq, %add3A_452, %eq3A_560 : vector<25x125x256xi32>
      %jit3A_562 = arith.constant 0xFF800000 : f32
      %broadcast_in_dim3A_563 = vector.broadcast %jit3A_562 : f32 to vector<25x125x256xf32>
      %select_n3A_564 = arith.select %eq3A_561, %broadcast_in_dim3A_563, %select_n3A_548 : vector<25x125x256xi1>, vector<25x125x256xf32>
      %reduce_max3A_565 = arith.constant dense<0xFF800000> : vector<256xf32>
      %reduce_max3A_566 = vector.multi_reduction <maximumf>, %select_n3A_564, %reduce_max3A_565 [0, 1] : vector<25x125x256xf32> to vector<256xf32>
      %broadcast_in_dim3A_567 = vector.shape_cast %reduce_max3A_566 : vector<256xf32> to vector<1x1x256xf32>
      %eq3A_568 = vector.broadcast %broadcast_in_dim3A_567 : vector<1x1x256xf32> to vector<25x125x256xf32>
      %eq3A_569 = arith.cmpf oeq, %select_n3A_564, %eq3A_568 : vector<25x125x256xf32>
      %jit3A_570 = arith.constant 3125 : i32
      %broadcast_in_dim3A_571 = vector.broadcast %jit3A_570 : i32 to vector<25x125x256xi32>
      %select_n3A_572 = arith.select %eq3A_569, %add3A_452, %broadcast_in_dim3A_571 : vector<25x125x256xi1>, vector<25x125x256xi32>
      %reduce_min3A_573 = arith.constant dense<2147483647> : vector<256xi32>
      %reduce_min3A_574 = vector.multi_reduction <minsi>, %select_n3A_572, %reduce_min3A_573 [0, 1] : vector<25x125x256xi32> to vector<256xi32>
      %stack3A_575 = vector.shape_cast %reduce_min3A_462 : vector<256xi32> to vector<1x256xi32>
      %stack3A_576 = vector.shape_cast %reduce_min3A_478 : vector<256xi32> to vector<1x256xi32>
      %stack3A_577 = vector.shape_cast %reduce_min3A_494 : vector<256xi32> to vector<1x256xi32>
      %stack3A_578 = vector.shape_cast %reduce_min3A_510 : vector<256xi32> to vector<1x256xi32>
      %stack3A_579 = vector.shape_cast %reduce_min3A_526 : vector<256xi32> to vector<1x256xi32>
      %stack3A_580 = vector.shape_cast %reduce_min3A_542 : vector<256xi32> to vector<1x256xi32>
      %stack3A_581 = vector.shape_cast %reduce_min3A_558 : vector<256xi32> to vector<1x256xi32>
      %stack3A_582 = vector.shape_cast %reduce_min3A_574 : vector<256xi32> to vector<1x256xi32>
      %stack3A_583 = tpu.concatenate %stack3A_575, %stack3A_576, %stack3A_577, %stack3A_578, %stack3A_579, %stack3A_580, %stack3A_581, %stack3A_582 in 0 : vector<1x256xi32>, vector<1x256xi32>, vector<1x256xi32>, vector<1x256xi32>, vector<1x256xi32>, vector<1x256xi32>, vector<1x256xi32>, vector<1x256xi32> -> vector<8x256xi32>
      %swap3A_584 = arith.constant 0 : index
      %swap3A_585 = arith.constant 768 : index
      %swap3A_586 = vector.load %arg6[%swap3A_584, %swap3A_585] : memref<8x1024xi32, #tpu.memory_space<vmem>>, vector<8x256xi32>
      tpu.vector_store %arg6[%swap3A_584, %swap3A_585], %stack3A_583 {strides = array<i32>} : memref<8x1024xi32, #tpu.memory_space<vmem>>, vector<8x256xi32>,
    } else {
    }
    return
  }
  func.func @transform_0(%arg0: i32) -> (i32, i32) {
    %c0_i32 = arith.constant 0 : i32
    %c0_i32_0 = arith.constant 0 : i32
    %c0_i32_1 = arith.constant 0 : i32
    return %c0_i32, %c0_i32_0 : i32, i32
  }
  func.func @transform_1(%arg0: i32) -> (i32, i32) {
    %c0_i32 = arith.constant 0 : i32
    %c0_i32_0 = arith.constant 0 : i32
    %c0_i32_1 = arith.constant 0 : i32
    return %c0_i32, %c0_i32_0 : i32, i32
  }
  func.func @transform_2(%arg0: i32) -> (i32, i32) {
    %c0_i32 = arith.constant 0 : i32
    %c0_i32_0 = arith.constant 0 : i32
    %c0_i32_1 = arith.constant 0 : i32
    return %c0_i32, %c0_i32_0 : i32, i32
  }
  func.func @transform_3(%arg0: i32) -> (i32, i32) {
    %c0_i32 = arith.constant 0 : i32
    %c0_i32_0 = arith.constant 0 : i32
    return %arg0, %c0_i32 : i32, i32
  }
  func.func @transform_4(%arg0: i32) -> (i32, i32) {
    %c0_i32 = arith.constant 0 : i32
    %c0_i32_0 = arith.constant 0 : i32
    %c0_i32_1 = arith.constant 0 : i32
    return %c0_i32, %c0_i32_0 : i32, i32
  }
  func.func @transform_5(%arg0: i32) -> (i32, i32) {
    %c0_i32 = arith.constant 0 : i32
    %c0_i32_0 = arith.constant 0 : i32
    %c0_i32_1 = arith.constant 0 : i32
    return %c0_i32, %c0_i32_0 : i32, i32
  }
}

module attributes {stable_mosaic.version = 14 : i64} {
  func.func @_stage_c(%arg0: i32, %arg1: memref<1024x1024xf32, #tpu.memory_space<vmem>>, %arg2: memref<1024x32xf32, #tpu.memory_space<vmem>>, %arg3: memref<128x8xi32, #tpu.memory_space<vmem>>, %arg4: memref<128x8xf32, #tpu.memory_space<vmem>>, %arg5: memref<128x8xi32, #tpu.memory_space<vmem>>) attributes {dimension_semantics = [#tpu.dimension_semantics<arbitrary>], iteration_bounds = array<i64: 8>, scalar_prefetch = 0 : i64, scratch_operands = 0 : i64, tpu.core_type = #tpu.core_type<tc>, window_params = [{transform_indices = @transform_0, window_bounds = array<i64: 1024, 1024>}, {transform_indices = @transform_1, window_bounds = array<i64: 1024, 32>}, {transform_indices = @transform_2, window_bounds = array<i64: 128, 8>}, {transform_indices = @transform_3, window_bounds = array<i64: 128, 8>}, {transform_indices = @transform_4, window_bounds = array<i64: 128, 8>}]} {
    %get3A = arith.constant 0 : index
    %get3A_0 = arith.constant 0 : index
    %get3A_1 = vector.load %arg1[%get3A, %get3A_0] : memref<1024x1024xf32, #tpu.memory_space<vmem>>, vector<1024x1024xf32>
    %get3A_2 = arith.constant 0 : index
    %get3A_3 = arith.constant 0 : index
    %get3A_4 = vector.load %arg2[%get3A_2, %get3A_3] : memref<1024x32xf32, #tpu.memory_space<vmem>>, vector<1024x32xf32>
    %iota3A = tpu.iota {dimensions = array<i32: 0>} : vector<32x1024xi32>
    %iota3A_5 = tpu.iota {dimensions = array<i32: 1>} : vector<32x1024xi32>
    %jit3A = arith.constant 32 : i32
    %eq3A = arith.constant 0 : i32
    %eq3A_6 = arith.cmpi eq, %jit3A, %eq3A : i32
    %jit3A_7 = arith.constant 1 : i32
    %select_n3A = arith.select %eq3A_6, %jit3A_7, %jit3A : i32
    %rem3A = vector.broadcast %select_n3A : i32 to vector<32x1024xi32>
    %rem3A_8 = arith.remsi %iota3A_5, %rem3A : vector<32x1024xi32>
    %ne3A = arith.constant 0 : i32
    %ne3A_9 = vector.broadcast %ne3A : i32 to vector<32x1024xi32>
    %ne3A_10 = arith.cmpi ne, %rem3A_8, %ne3A_9 : vector<32x1024xi32>
    %lt3A = arith.constant 0 : i32
    %lt3A_11 = vector.broadcast %lt3A : i32 to vector<32x1024xi32>
    %lt3A_12 = arith.cmpi slt, %rem3A_8, %lt3A_11 : vector<32x1024xi32>
    %lt3A_13 = arith.constant 0 : i32
    %lt3A_14 = arith.cmpi slt, %select_n3A, %lt3A_13 : i32
    %ne3A_15 = vector.broadcast %lt3A_14 : i1 to vector<32x1024xi1>
    %ne3A_16 = vector.broadcast %ne3A_15 : vector<32x1024xi1> to vector<32x1024xi1>
    %ne3A_17 = arith.xori %lt3A_12, %ne3A_16 : vector<32x1024xi1>
    %and3A = arith.andi %ne3A_17, %ne3A_10 : vector<32x1024xi1>
    %add3A = vector.broadcast %select_n3A : i32 to vector<32x1024xi32>
    %add3A_18 = arith.addi %rem3A_8, %add3A : vector<32x1024xi32>
    %select_n3A_19 = arith.select %and3A, %add3A_18, %rem3A_8 : vector<32x1024xi1>, vector<32x1024xi32>
    %eq3A_20 = arith.cmpi eq, %select_n3A_19, %iota3A : vector<32x1024xi32>
    %convert_element_type3A = arith.extui %eq3A_20 : vector<32x1024xi1> to vector<32x1024xi32>
    %convert_element_type3A_21 = arith.sitofp %convert_element_type3A : vector<32x1024xi32> to vector<32x1024xf32>
    %dot_general3A = arith.constant dense<0.000000e+00> : vector<1024x1024xf32>
    %dot_general3A_22 = tpu.matmul %get3A_4, %convert_element_type3A_21, %dot_general3A {dimension_numbers = #tpu.dot_dimension_numbers<[1], [0], [0], [1], [0, 0, 1, 1], [], []>, transpose_lhs_hint = false} : vector<1024x32xf32>, vector<32x1024xf32>, vector<1024x1024xf32> -> vector<1024x1024xf32>
    %mul3A = arith.mulf %get3A_1, %dot_general3A_22 : vector<1024x1024xf32>
    %iota3A_23 = tpu.iota {dimensions = array<i32: 0>} : vector<1024x32xi32>
    %iota3A_24 = tpu.iota {dimensions = array<i32: 1>} : vector<1024x32xi32>
    %jit3A_25 = arith.constant 32 : i32
    %div3A = vector.broadcast %jit3A_25 : i32 to vector<1024x32xi32>
    %div3A_26 = arith.divsi %iota3A_23, %div3A : vector<1024x32xi32>
    %sign3A = arith.constant 0 : i32
    %sign3A_27 = vector.broadcast %sign3A : i32 to vector<1024x32xi32>
    %sign3A_28 = arith.cmpi sgt, %iota3A_23, %sign3A_27 : vector<1024x32xi32>
    %sign3A_29 = arith.extui %sign3A_28 : vector<1024x32xi1> to vector<1024x32xi32>
    %sign3A_30 = arith.constant 0 : i32
    %sign3A_31 = vector.broadcast %sign3A_30 : i32 to vector<1024x32xi32>
    %sign3A_32 = arith.cmpi slt, %iota3A_23, %sign3A_31 : vector<1024x32xi32>
    %sign3A_33 = arith.extui %sign3A_32 : vector<1024x32xi1> to vector<1024x32xi32>
    %sign3A_34 = arith.subi %sign3A_29, %sign3A_33 : vector<1024x32xi32>
    %sign3A_35 = arith.constant 0 : i32
    %sign3A_36 = arith.cmpi sgt, %jit3A_25, %sign3A_35 : i32
    %sign3A_37 = arith.extui %sign3A_36 : i1 to i32
    %sign3A_38 = arith.constant 0 : i32
    %sign3A_39 = arith.cmpi slt, %jit3A_25, %sign3A_38 : i32
    %sign3A_40 = arith.extui %sign3A_39 : i1 to i32
    %sign3A_41 = arith.subi %sign3A_37, %sign3A_40 : i32
    %ne3A_42 = vector.broadcast %sign3A_41 : i32 to vector<1024x32xi32>
    %ne3A_43 = arith.cmpi ne, %sign3A_34, %ne3A_42 : vector<1024x32xi32>
    %rem3A_44 = vector.broadcast %jit3A_25 : i32 to vector<1024x32xi32>
    %rem3A_45 = arith.remsi %iota3A_23, %rem3A_44 : vector<1024x32xi32>
    %ne3A_46 = arith.constant 0 : i32
    %ne3A_47 = vector.broadcast %ne3A_46 : i32 to vector<1024x32xi32>
    %ne3A_48 = arith.cmpi ne, %rem3A_45, %ne3A_47 : vector<1024x32xi32>
    %and3A_49 = arith.andi %ne3A_43, %ne3A_48 : vector<1024x32xi1>
    %sub3A = arith.constant 1 : i32
    %sub3A_50 = vector.broadcast %sub3A : i32 to vector<1024x32xi32>
    %sub3A_51 = arith.subi %div3A_26, %sub3A_50 : vector<1024x32xi32>
    %select_n3A_52 = arith.select %and3A_49, %sub3A_51, %div3A_26 : vector<1024x32xi1>, vector<1024x32xi32>
    %eq3A_53 = arith.cmpi eq, %select_n3A_52, %iota3A_24 : vector<1024x32xi32>
    %convert_element_type3A_54 = arith.extui %eq3A_53 : vector<1024x32xi1> to vector<1024x32xi32>
    %convert_element_type3A_55 = arith.sitofp %convert_element_type3A_54 : vector<1024x32xi32> to vector<1024x32xf32>
    %dot_general3A_56 = arith.constant dense<0.000000e+00> : vector<1024x32xf32>
    %dot_general3A_57 = tpu.matmul %mul3A, %convert_element_type3A_55, %dot_general3A_56 {dimension_numbers = #tpu.dot_dimension_numbers<[1], [0], [0], [1], [0, 0, 1, 1], [], []>, transpose_lhs_hint = false} : vector<1024x1024xf32>, vector<1024x32xf32>, vector<1024x32xf32> -> vector<1024x32xf32>
    %reshape3A = vector.shape_cast %dot_general3A_57 : vector<1024x32xf32> to vector<128x8x32xf32>
    %get3A_58 = arith.constant 0 : index
    %get3A_59 = arith.constant 0 : index
    %get3A_60 = vector.load %arg3[%get3A_58, %get3A_59] : memref<128x8xi32, #tpu.memory_space<vmem>>, vector<128x8xi32>
    %broadcast_in_dim3A = vector.shape_cast %get3A_60 : vector<128x8xi32> to vector<128x8x1xi32>
    %mul3A_61 = arith.constant 32 : i32
    %mul3A_62 = vector.broadcast %mul3A_61 : i32 to vector<128x8x1xi32>
    %mul3A_63 = arith.muli %broadcast_in_dim3A, %mul3A_62 : vector<128x8x1xi32>
    %iota3A_64 = tpu.iota {dimensions = array<i32: 2>} : vector<128x8x32xi32>
    %add3A_65 = vector.broadcast %mul3A_63 : vector<128x8x1xi32> to vector<128x8x32xi32>
    %add3A_66 = arith.addi %add3A_65, %iota3A_64 : vector<128x8x32xi32>
    %reduce_max3A = arith.constant dense<0xFF800000> : vector<128xf32>
    %reduce_max3A_67 = vector.multi_reduction <maximumf>, %reshape3A, %reduce_max3A [1, 2] : vector<128x8x32xf32> to vector<128xf32>
    %broadcast_in_dim3A_68 = vector.shape_cast %reduce_max3A_67 : vector<128xf32> to vector<128x1x1xf32>
    %eq3A_69 = vector.broadcast %broadcast_in_dim3A_68 : vector<128x1x1xf32> to vector<128x8x32xf32>
    %eq3A_70 = arith.cmpf oeq, %reshape3A, %eq3A_69 : vector<128x8x32xf32>
    %jit3A_71 = arith.constant 2147483647 : i32
    %broadcast_in_dim3A_72 = vector.broadcast %jit3A_71 : i32 to vector<128x8x32xi32>
    %select_n3A_73 = arith.select %eq3A_70, %add3A_66, %broadcast_in_dim3A_72 : vector<128x8x32xi1>, vector<128x8x32xi32>
    %reduce_min3A = arith.constant dense<2147483647> : vector<128xi32>
    %reduce_min3A_74 = vector.multi_reduction <minsi>, %select_n3A_73, %reduce_min3A [1, 2] : vector<128x8x32xi32> to vector<128xi32>
    %broadcast_in_dim3A_75 = vector.shape_cast %reduce_min3A_74 : vector<128xi32> to vector<128x1x1xi32>
    %squeeze3A = vector.shape_cast %broadcast_in_dim3A_68 : vector<128x1x1xf32> to vector<128x1xf32>
    %squeeze3A_76 = vector.shape_cast %broadcast_in_dim3A_75 : vector<128x1x1xi32> to vector<128x1xi32>
    %eq3A_77 = vector.broadcast %broadcast_in_dim3A_75 : vector<128x1x1xi32> to vector<128x8x32xi32>
    %eq3A_78 = arith.cmpi eq, %add3A_66, %eq3A_77 : vector<128x8x32xi32>
    %jit3A_79 = arith.constant 0xFF800000 : f32
    %broadcast_in_dim3A_80 = vector.broadcast %jit3A_79 : f32 to vector<128x8x32xf32>
    %select_n3A_81 = arith.select %eq3A_78, %broadcast_in_dim3A_80, %reshape3A : vector<128x8x32xi1>, vector<128x8x32xf32>
    %reduce_max3A_82 = arith.constant dense<0xFF800000> : vector<128xf32>
    %reduce_max3A_83 = vector.multi_reduction <maximumf>, %select_n3A_81, %reduce_max3A_82 [1, 2] : vector<128x8x32xf32> to vector<128xf32>
    %broadcast_in_dim3A_84 = vector.shape_cast %reduce_max3A_83 : vector<128xf32> to vector<128x1x1xf32>
    %eq3A_85 = vector.broadcast %broadcast_in_dim3A_84 : vector<128x1x1xf32> to vector<128x8x32xf32>
    %eq3A_86 = arith.cmpf oeq, %select_n3A_81, %eq3A_85 : vector<128x8x32xf32>
    %jit3A_87 = arith.constant 2147483647 : i32
    %broadcast_in_dim3A_88 = vector.broadcast %jit3A_87 : i32 to vector<128x8x32xi32>
    %select_n3A_89 = arith.select %eq3A_86, %add3A_66, %broadcast_in_dim3A_88 : vector<128x8x32xi1>, vector<128x8x32xi32>
    %reduce_min3A_90 = arith.constant dense<2147483647> : vector<128xi32>
    %reduce_min3A_91 = vector.multi_reduction <minsi>, %select_n3A_89, %reduce_min3A_90 [1, 2] : vector<128x8x32xi32> to vector<128xi32>
    %broadcast_in_dim3A_92 = vector.shape_cast %reduce_min3A_91 : vector<128xi32> to vector<128x1x1xi32>
    %squeeze3A_93 = vector.shape_cast %broadcast_in_dim3A_84 : vector<128x1x1xf32> to vector<128x1xf32>
    %squeeze3A_94 = vector.shape_cast %broadcast_in_dim3A_92 : vector<128x1x1xi32> to vector<128x1xi32>
    %eq3A_95 = vector.broadcast %broadcast_in_dim3A_92 : vector<128x1x1xi32> to vector<128x8x32xi32>
    %eq3A_96 = arith.cmpi eq, %add3A_66, %eq3A_95 : vector<128x8x32xi32>
    %jit3A_97 = arith.constant 0xFF800000 : f32
    %broadcast_in_dim3A_98 = vector.broadcast %jit3A_97 : f32 to vector<128x8x32xf32>
    %select_n3A_99 = arith.select %eq3A_96, %broadcast_in_dim3A_98, %select_n3A_81 : vector<128x8x32xi1>, vector<128x8x32xf32>
    %reduce_max3A_100 = arith.constant dense<0xFF800000> : vector<128xf32>
    %reduce_max3A_101 = vector.multi_reduction <maximumf>, %select_n3A_99, %reduce_max3A_100 [1, 2] : vector<128x8x32xf32> to vector<128xf32>
    %broadcast_in_dim3A_102 = vector.shape_cast %reduce_max3A_101 : vector<128xf32> to vector<128x1x1xf32>
    %eq3A_103 = vector.broadcast %broadcast_in_dim3A_102 : vector<128x1x1xf32> to vector<128x8x32xf32>
    %eq3A_104 = arith.cmpf oeq, %select_n3A_99, %eq3A_103 : vector<128x8x32xf32>
    %jit3A_105 = arith.constant 2147483647 : i32
    %broadcast_in_dim3A_106 = vector.broadcast %jit3A_105 : i32 to vector<128x8x32xi32>
    %select_n3A_107 = arith.select %eq3A_104, %add3A_66, %broadcast_in_dim3A_106 : vector<128x8x32xi1>, vector<128x8x32xi32>
    %reduce_min3A_108 = arith.constant dense<2147483647> : vector<128xi32>
    %reduce_min3A_109 = vector.multi_reduction <minsi>, %select_n3A_107, %reduce_min3A_108 [1, 2] : vector<128x8x32xi32> to vector<128xi32>
    %broadcast_in_dim3A_110 = vector.shape_cast %reduce_min3A_109 : vector<128xi32> to vector<128x1x1xi32>
    %squeeze3A_111 = vector.shape_cast %broadcast_in_dim3A_102 : vector<128x1x1xf32> to vector<128x1xf32>
    %squeeze3A_112 = vector.shape_cast %broadcast_in_dim3A_110 : vector<128x1x1xi32> to vector<128x1xi32>
    %eq3A_113 = vector.broadcast %broadcast_in_dim3A_110 : vector<128x1x1xi32> to vector<128x8x32xi32>
    %eq3A_114 = arith.cmpi eq, %add3A_66, %eq3A_113 : vector<128x8x32xi32>
    %jit3A_115 = arith.constant 0xFF800000 : f32
    %broadcast_in_dim3A_116 = vector.broadcast %jit3A_115 : f32 to vector<128x8x32xf32>
    %select_n3A_117 = arith.select %eq3A_114, %broadcast_in_dim3A_116, %select_n3A_99 : vector<128x8x32xi1>, vector<128x8x32xf32>
    %reduce_max3A_118 = arith.constant dense<0xFF800000> : vector<128xf32>
    %reduce_max3A_119 = vector.multi_reduction <maximumf>, %select_n3A_117, %reduce_max3A_118 [1, 2] : vector<128x8x32xf32> to vector<128xf32>
    %broadcast_in_dim3A_120 = vector.shape_cast %reduce_max3A_119 : vector<128xf32> to vector<128x1x1xf32>
    %eq3A_121 = vector.broadcast %broadcast_in_dim3A_120 : vector<128x1x1xf32> to vector<128x8x32xf32>
    %eq3A_122 = arith.cmpf oeq, %select_n3A_117, %eq3A_121 : vector<128x8x32xf32>
    %jit3A_123 = arith.constant 2147483647 : i32
    %broadcast_in_dim3A_124 = vector.broadcast %jit3A_123 : i32 to vector<128x8x32xi32>
    %select_n3A_125 = arith.select %eq3A_122, %add3A_66, %broadcast_in_dim3A_124 : vector<128x8x32xi1>, vector<128x8x32xi32>
    %reduce_min3A_126 = arith.constant dense<2147483647> : vector<128xi32>
    %reduce_min3A_127 = vector.multi_reduction <minsi>, %select_n3A_125, %reduce_min3A_126 [1, 2] : vector<128x8x32xi32> to vector<128xi32>
    %broadcast_in_dim3A_128 = vector.shape_cast %reduce_min3A_127 : vector<128xi32> to vector<128x1x1xi32>
    %squeeze3A_129 = vector.shape_cast %broadcast_in_dim3A_120 : vector<128x1x1xf32> to vector<128x1xf32>
    %squeeze3A_130 = vector.shape_cast %broadcast_in_dim3A_128 : vector<128x1x1xi32> to vector<128x1xi32>
    %eq3A_131 = vector.broadcast %broadcast_in_dim3A_128 : vector<128x1x1xi32> to vector<128x8x32xi32>
    %eq3A_132 = arith.cmpi eq, %add3A_66, %eq3A_131 : vector<128x8x32xi32>
    %jit3A_133 = arith.constant 0xFF800000 : f32
    %broadcast_in_dim3A_134 = vector.broadcast %jit3A_133 : f32 to vector<128x8x32xf32>
    %select_n3A_135 = arith.select %eq3A_132, %broadcast_in_dim3A_134, %select_n3A_117 : vector<128x8x32xi1>, vector<128x8x32xf32>
    %reduce_max3A_136 = arith.constant dense<0xFF800000> : vector<128xf32>
    %reduce_max3A_137 = vector.multi_reduction <maximumf>, %select_n3A_135, %reduce_max3A_136 [1, 2] : vector<128x8x32xf32> to vector<128xf32>
    %broadcast_in_dim3A_138 = vector.shape_cast %reduce_max3A_137 : vector<128xf32> to vector<128x1x1xf32>
    %eq3A_139 = vector.broadcast %broadcast_in_dim3A_138 : vector<128x1x1xf32> to vector<128x8x32xf32>
    %eq3A_140 = arith.cmpf oeq, %select_n3A_135, %eq3A_139 : vector<128x8x32xf32>
    %jit3A_141 = arith.constant 2147483647 : i32
    %broadcast_in_dim3A_142 = vector.broadcast %jit3A_141 : i32 to vector<128x8x32xi32>
    %select_n3A_143 = arith.select %eq3A_140, %add3A_66, %broadcast_in_dim3A_142 : vector<128x8x32xi1>, vector<128x8x32xi32>
    %reduce_min3A_144 = arith.constant dense<2147483647> : vector<128xi32>
    %reduce_min3A_145 = vector.multi_reduction <minsi>, %select_n3A_143, %reduce_min3A_144 [1, 2] : vector<128x8x32xi32> to vector<128xi32>
    %broadcast_in_dim3A_146 = vector.shape_cast %reduce_min3A_145 : vector<128xi32> to vector<128x1x1xi32>
    %squeeze3A_147 = vector.shape_cast %broadcast_in_dim3A_138 : vector<128x1x1xf32> to vector<128x1xf32>
    %squeeze3A_148 = vector.shape_cast %broadcast_in_dim3A_146 : vector<128x1x1xi32> to vector<128x1xi32>
    %eq3A_149 = vector.broadcast %broadcast_in_dim3A_146 : vector<128x1x1xi32> to vector<128x8x32xi32>
    %eq3A_150 = arith.cmpi eq, %add3A_66, %eq3A_149 : vector<128x8x32xi32>
    %jit3A_151 = arith.constant 0xFF800000 : f32
    %broadcast_in_dim3A_152 = vector.broadcast %jit3A_151 : f32 to vector<128x8x32xf32>
    %select_n3A_153 = arith.select %eq3A_150, %broadcast_in_dim3A_152, %select_n3A_135 : vector<128x8x32xi1>, vector<128x8x32xf32>
    %reduce_max3A_154 = arith.constant dense<0xFF800000> : vector<128xf32>
    %reduce_max3A_155 = vector.multi_reduction <maximumf>, %select_n3A_153, %reduce_max3A_154 [1, 2] : vector<128x8x32xf32> to vector<128xf32>
    %broadcast_in_dim3A_156 = vector.shape_cast %reduce_max3A_155 : vector<128xf32> to vector<128x1x1xf32>
    %eq3A_157 = vector.broadcast %broadcast_in_dim3A_156 : vector<128x1x1xf32> to vector<128x8x32xf32>
    %eq3A_158 = arith.cmpf oeq, %select_n3A_153, %eq3A_157 : vector<128x8x32xf32>
    %jit3A_159 = arith.constant 2147483647 : i32
    %broadcast_in_dim3A_160 = vector.broadcast %jit3A_159 : i32 to vector<128x8x32xi32>
    %select_n3A_161 = arith.select %eq3A_158, %add3A_66, %broadcast_in_dim3A_160 : vector<128x8x32xi1>, vector<128x8x32xi32>
    %reduce_min3A_162 = arith.constant dense<2147483647> : vector<128xi32>
    %reduce_min3A_163 = vector.multi_reduction <minsi>, %select_n3A_161, %reduce_min3A_162 [1, 2] : vector<128x8x32xi32> to vector<128xi32>
    %broadcast_in_dim3A_164 = vector.shape_cast %reduce_min3A_163 : vector<128xi32> to vector<128x1x1xi32>
    %squeeze3A_165 = vector.shape_cast %broadcast_in_dim3A_156 : vector<128x1x1xf32> to vector<128x1xf32>
    %squeeze3A_166 = vector.shape_cast %broadcast_in_dim3A_164 : vector<128x1x1xi32> to vector<128x1xi32>
    %eq3A_167 = vector.broadcast %broadcast_in_dim3A_164 : vector<128x1x1xi32> to vector<128x8x32xi32>
    %eq3A_168 = arith.cmpi eq, %add3A_66, %eq3A_167 : vector<128x8x32xi32>
    %jit3A_169 = arith.constant 0xFF800000 : f32
    %broadcast_in_dim3A_170 = vector.broadcast %jit3A_169 : f32 to vector<128x8x32xf32>
    %select_n3A_171 = arith.select %eq3A_168, %broadcast_in_dim3A_170, %select_n3A_153 : vector<128x8x32xi1>, vector<128x8x32xf32>
    %reduce_max3A_172 = arith.constant dense<0xFF800000> : vector<128xf32>
    %reduce_max3A_173 = vector.multi_reduction <maximumf>, %select_n3A_171, %reduce_max3A_172 [1, 2] : vector<128x8x32xf32> to vector<128xf32>
    %broadcast_in_dim3A_174 = vector.shape_cast %reduce_max3A_173 : vector<128xf32> to vector<128x1x1xf32>
    %eq3A_175 = vector.broadcast %broadcast_in_dim3A_174 : vector<128x1x1xf32> to vector<128x8x32xf32>
    %eq3A_176 = arith.cmpf oeq, %select_n3A_171, %eq3A_175 : vector<128x8x32xf32>
    %jit3A_177 = arith.constant 2147483647 : i32
    %broadcast_in_dim3A_178 = vector.broadcast %jit3A_177 : i32 to vector<128x8x32xi32>
    %select_n3A_179 = arith.select %eq3A_176, %add3A_66, %broadcast_in_dim3A_178 : vector<128x8x32xi1>, vector<128x8x32xi32>
    %reduce_min3A_180 = arith.constant dense<2147483647> : vector<128xi32>
    %reduce_min3A_181 = vector.multi_reduction <minsi>, %select_n3A_179, %reduce_min3A_180 [1, 2] : vector<128x8x32xi32> to vector<128xi32>
    %broadcast_in_dim3A_182 = vector.shape_cast %reduce_min3A_181 : vector<128xi32> to vector<128x1x1xi32>
    %squeeze3A_183 = vector.shape_cast %broadcast_in_dim3A_174 : vector<128x1x1xf32> to vector<128x1xf32>
    %squeeze3A_184 = vector.shape_cast %broadcast_in_dim3A_182 : vector<128x1x1xi32> to vector<128x1xi32>
    %eq3A_185 = vector.broadcast %broadcast_in_dim3A_182 : vector<128x1x1xi32> to vector<128x8x32xi32>
    %eq3A_186 = arith.cmpi eq, %add3A_66, %eq3A_185 : vector<128x8x32xi32>
    %jit3A_187 = arith.constant 0xFF800000 : f32
    %broadcast_in_dim3A_188 = vector.broadcast %jit3A_187 : f32 to vector<128x8x32xf32>
    %select_n3A_189 = arith.select %eq3A_186, %broadcast_in_dim3A_188, %select_n3A_171 : vector<128x8x32xi1>, vector<128x8x32xf32>
    %reduce_max3A_190 = arith.constant dense<0xFF800000> : vector<128xf32>
    %reduce_max3A_191 = vector.multi_reduction <maximumf>, %select_n3A_189, %reduce_max3A_190 [1, 2] : vector<128x8x32xf32> to vector<128xf32>
    %broadcast_in_dim3A_192 = vector.shape_cast %reduce_max3A_191 : vector<128xf32> to vector<128x1x1xf32>
    %eq3A_193 = vector.broadcast %broadcast_in_dim3A_192 : vector<128x1x1xf32> to vector<128x8x32xf32>
    %eq3A_194 = arith.cmpf oeq, %select_n3A_189, %eq3A_193 : vector<128x8x32xf32>
    %jit3A_195 = arith.constant 2147483647 : i32
    %broadcast_in_dim3A_196 = vector.broadcast %jit3A_195 : i32 to vector<128x8x32xi32>
    %select_n3A_197 = arith.select %eq3A_194, %add3A_66, %broadcast_in_dim3A_196 : vector<128x8x32xi1>, vector<128x8x32xi32>
    %reduce_min3A_198 = arith.constant dense<2147483647> : vector<128xi32>
    %reduce_min3A_199 = vector.multi_reduction <minsi>, %select_n3A_197, %reduce_min3A_198 [1, 2] : vector<128x8x32xi32> to vector<128xi32>
    %broadcast_in_dim3A_200 = vector.shape_cast %reduce_min3A_199 : vector<128xi32> to vector<128x1x1xi32>
    %squeeze3A_201 = vector.shape_cast %broadcast_in_dim3A_192 : vector<128x1x1xf32> to vector<128x1xf32>
    %squeeze3A_202 = vector.shape_cast %broadcast_in_dim3A_200 : vector<128x1x1xi32> to vector<128x1xi32>
    %concatenate3A = tpu.concatenate %squeeze3A, %squeeze3A_93, %squeeze3A_111, %squeeze3A_129, %squeeze3A_147, %squeeze3A_165, %squeeze3A_183, %squeeze3A_201 in 1 : vector<128x1xf32>, vector<128x1xf32>, vector<128x1xf32>, vector<128x1xf32>, vector<128x1xf32>, vector<128x1xf32>, vector<128x1xf32>, vector<128x1xf32> -> vector<128x8xf32>
    %slice3A = vector.extract_strided_slice %concatenate3A {offsets = [0, 0], sizes = [128, 1], strides = [1, 1]} : vector<128x8xf32> to vector<128x1xf32>
    %sub3A_203 = vector.broadcast %slice3A : vector<128x1xf32> to vector<128x8xf32>
    %sub3A_204 = arith.subf %concatenate3A, %sub3A_203 : vector<128x8xf32>
    %exp3A = math.exp %sub3A_204 : vector<128x8xf32>
    %reduce_sum3A = arith.constant dense<0.000000e+00> : vector<128xf32>
    %reduce_sum3A_205 = vector.multi_reduction <add>, %exp3A, %reduce_sum3A [1] : vector<128x8xf32> to vector<128xf32>
    %broadcast_in_dim3A_206 = vector.shape_cast %reduce_sum3A_205 : vector<128xf32> to vector<128x1xf32>
    %div3A_207 = vector.broadcast %broadcast_in_dim3A_206 : vector<128x1xf32> to vector<128x8xf32>
    %div3A_208 = arith.divf %exp3A, %div3A_207 : vector<128x8xf32>
    %swap3A = arith.constant 0 : index
    %swap3A_209 = arith.constant 0 : index
    %swap3A_210 = vector.load %arg4[%swap3A, %swap3A_209] : memref<128x8xf32, #tpu.memory_space<vmem>>, vector<128x8xf32>
    tpu.vector_store %arg4[%swap3A, %swap3A_209], %div3A_208 {strides = array<i32>} : memref<128x8xf32, #tpu.memory_space<vmem>>, vector<128x8xf32>,
    %concatenate3A_211 = tpu.concatenate %squeeze3A_76, %squeeze3A_94, %squeeze3A_112, %squeeze3A_130, %squeeze3A_148, %squeeze3A_166, %squeeze3A_184, %squeeze3A_202 in 1 : vector<128x1xi32>, vector<128x1xi32>, vector<128x1xi32>, vector<128x1xi32>, vector<128x1xi32>, vector<128x1xi32>, vector<128x1xi32>, vector<128x1xi32> -> vector<128x8xi32>
    %swap3A_212 = arith.constant 0 : index
    %swap3A_213 = arith.constant 0 : index
    %swap3A_214 = vector.load %arg5[%swap3A_212, %swap3A_213] : memref<128x8xi32, #tpu.memory_space<vmem>>, vector<128x8xi32>
    tpu.vector_store %arg5[%swap3A_212, %swap3A_213], %concatenate3A_211 {strides = array<i32>} : memref<128x8xi32, #tpu.memory_space<vmem>>, vector<128x8xi32>,
    return
  }
  func.func @transform_0(%arg0: i32) -> (i32, i32) {
    %c0_i32 = arith.constant 0 : i32
    %c0_i32_0 = arith.constant 0 : i32
    return %arg0, %c0_i32 : i32, i32
  }
  func.func @transform_1(%arg0: i32) -> (i32, i32) {
    %c0_i32 = arith.constant 0 : i32
    %c0_i32_0 = arith.constant 0 : i32
    return %arg0, %c0_i32 : i32, i32
  }
  func.func @transform_2(%arg0: i32) -> (i32, i32) {
    %c0_i32 = arith.constant 0 : i32
    %c0_i32_0 = arith.constant 0 : i32
    return %arg0, %c0_i32 : i32, i32
  }
  func.func @transform_3(%arg0: i32) -> (i32, i32) {
    %c0_i32 = arith.constant 0 : i32
    %c0_i32_0 = arith.constant 0 : i32
    return %arg0, %c0_i32 : i32, i32
  }
  func.func @transform_4(%arg0: i32) -> (i32, i32) {
    %c0_i32 = arith.constant 0 : i32
    %c0_i32_0 = arith.constant 0 : i32
    return %arg0, %c0_i32 : i32, i32
  }
}

module attributes {stable_mosaic.version = 14 : i64} {
  func.func @_stage_d(%arg0: memref<1024x8x4x32xf32, #tpu.memory_space<vmem>>, %arg1: memref<1024x8xf32, #tpu.memory_space<vmem>>, %arg2: memref<1024x8xi32, #tpu.memory_space<vmem>>, %arg3: memref<1024x32xf32, #tpu.memory_space<vmem>>, %arg4: memref<32x32xf32, #tpu.memory_space<vmem>>, %arg5: memref<1x32xf32, #tpu.memory_space<vmem>>, %arg6: memref<1024x32xf32, #tpu.memory_space<vmem>>) attributes {dimension_semantics = [], scalar_prefetch = 0 : i64, scratch_operands = 0 : i64, tpu.core_type = #tpu.core_type<tc>} {
    %get3A = arith.constant 0 : index
    %get3A_0 = arith.constant 0 : index
    %get3A_1 = arith.constant 0 : index
    %get3A_2 = arith.constant 0 : index
    %get3A_3 = vector.load %arg0[%get3A, %get3A_0, %get3A_1, %get3A_2] : memref<1024x8x4x32xf32, #tpu.memory_space<vmem>>, vector<1024x8x4x32xf32>
    %get3A_4 = arith.constant 0 : index
    %get3A_5 = arith.constant 0 : index
    %get3A_6 = vector.load %arg1[%get3A_4, %get3A_5] : memref<1024x8xf32, #tpu.memory_space<vmem>>, vector<1024x8xf32>
    %get3A_7 = arith.constant 0 : index
    %get3A_8 = arith.constant 0 : index
    %get3A_9 = vector.load %arg2[%get3A_7, %get3A_8] : memref<1024x8xi32, #tpu.memory_space<vmem>>, vector<1024x8xi32>
    %jit3A = arith.constant 4 : i32
    %eq3A = arith.constant 0 : i32
    %eq3A_10 = arith.cmpi eq, %jit3A, %eq3A : i32
    %jit3A_11 = arith.constant 1 : i32
    %select_n3A = arith.select %eq3A_10, %jit3A_11, %jit3A : i32
    %rem3A = vector.broadcast %select_n3A : i32 to vector<1024x8xi32>
    %rem3A_12 = arith.remsi %get3A_9, %rem3A : vector<1024x8xi32>
    %ne3A = arith.constant 0 : i32
    %ne3A_13 = vector.broadcast %ne3A : i32 to vector<1024x8xi32>
    %ne3A_14 = arith.cmpi ne, %rem3A_12, %ne3A_13 : vector<1024x8xi32>
    %lt3A = arith.constant 0 : i32
    %lt3A_15 = vector.broadcast %lt3A : i32 to vector<1024x8xi32>
    %lt3A_16 = arith.cmpi slt, %rem3A_12, %lt3A_15 : vector<1024x8xi32>
    %lt3A_17 = arith.constant 0 : i32
    %lt3A_18 = arith.cmpi slt, %select_n3A, %lt3A_17 : i32
    %ne3A_19 = vector.broadcast %lt3A_18 : i1 to vector<1024x8xi1>
    %ne3A_20 = vector.broadcast %ne3A_19 : vector<1024x8xi1> to vector<1024x8xi1>
    %ne3A_21 = arith.xori %lt3A_16, %ne3A_20 : vector<1024x8xi1>
    %and3A = arith.andi %ne3A_21, %ne3A_14 : vector<1024x8xi1>
    %add3A = vector.broadcast %select_n3A : i32 to vector<1024x8xi32>
    %add3A_22 = arith.addi %rem3A_12, %add3A : vector<1024x8xi32>
    %select_n3A_23 = arith.select %and3A, %add3A_22, %rem3A_12 : vector<1024x8xi1>, vector<1024x8xi32>
    %iota3A = tpu.iota {dimensions = array<i32: 2>} : vector<1024x8x4xi32>
    %broadcast_in_dim3A = vector.shape_cast %select_n3A_23 : vector<1024x8xi32> to vector<1024x8x1xi32>
    %eq3A_24 = vector.broadcast %broadcast_in_dim3A : vector<1024x8x1xi32> to vector<1024x8x4xi32>
    %eq3A_25 = arith.cmpi eq, %iota3A, %eq3A_24 : vector<1024x8x4xi32>
    %convert_element_type3A = arith.extui %eq3A_25 : vector<1024x8x4xi1> to vector<1024x8x4xi32>
    %convert_element_type3A_26 = arith.sitofp %convert_element_type3A : vector<1024x8x4xi32> to vector<1024x8x4xf32>
    %broadcast_in_dim3A_27 = vector.shape_cast %get3A_6 : vector<1024x8xf32> to vector<1024x8x1xf32>
    %mul3A = vector.broadcast %broadcast_in_dim3A_27 : vector<1024x8x1xf32> to vector<1024x8x4xf32>
    %mul3A_28 = arith.mulf %convert_element_type3A_26, %mul3A : vector<1024x8x4xf32>
    %broadcast_in_dim3A_29 = vector.shape_cast %mul3A_28 : vector<1024x8x4xf32> to vector<1024x8x4x1xf32>
    %mul3A_30 = vector.broadcast %broadcast_in_dim3A_29 : vector<1024x8x4x1xf32> to vector<1024x8x4x32xf32>
    %mul3A_31 = arith.mulf %get3A_3, %mul3A_30 : vector<1024x8x4x32xf32>
    %reduce_sum3A = arith.constant dense<0.000000e+00> : vector<1024x32xf32>
    %reduce_sum3A_32 = vector.multi_reduction <add>, %mul3A_31, %reduce_sum3A [1, 2] : vector<1024x8x4x32xf32> to vector<1024x32xf32>
    %get3A_33 = arith.constant 0 : index
    %get3A_34 = arith.constant 0 : index
    %get3A_35 = vector.load %arg4[%get3A_33, %get3A_34] : memref<32x32xf32, #tpu.memory_space<vmem>>, vector<32x32xf32>
    %dot_general3A = arith.constant dense<0.000000e+00> : vector<1024x32xf32>
    %dot_general3A_36 = tpu.matmul %reduce_sum3A_32, %get3A_35, %dot_general3A {dimension_numbers = #tpu.dot_dimension_numbers<[1], [0], [0], [1], [0, 0, 1, 1], [], []>, transpose_lhs_hint = false} : vector<1024x32xf32>, vector<32x32xf32>, vector<1024x32xf32> -> vector<1024x32xf32>
    %get3A_37 = arith.constant 0 : index
    %get3A_38 = arith.constant 0 : index
    %get3A_39 = vector.load %arg5[%get3A_37, %get3A_38] : memref<1x32xf32, #tpu.memory_space<vmem>>, vector<1x32xf32>
    %add3A_40 = vector.broadcast %get3A_39 : vector<1x32xf32> to vector<1024x32xf32>
    %add3A_41 = arith.addf %dot_general3A_36, %add3A_40 : vector<1024x32xf32>
    %get3A_42 = arith.constant 0 : index
    %get3A_43 = arith.constant 0 : index
    %get3A_44 = vector.load %arg3[%get3A_42, %get3A_43] : memref<1024x32xf32, #tpu.memory_space<vmem>>, vector<1024x32xf32>
    %add3A_45 = arith.addf %add3A_41, %get3A_44 : vector<1024x32xf32>
    %swap3A = arith.constant 0 : index
    %swap3A_46 = arith.constant 0 : index
    %swap3A_47 = vector.load %arg6[%swap3A, %swap3A_46] : memref<1024x32xf32, #tpu.memory_space<vmem>>, vector<1024x32xf32>
    tpu.vector_store %arg6[%swap3A, %swap3A_46], %add3A_45 {strides = array<i32>} : memref<1024x32xf32, #tpu.memory_space<vmem>>, vector<1024x32xf32>,
    return
  }
}

</mosaic_0001>

<sc_bundles>
// kernel: kernel.10.cloned.1.call-start
scs
__scs_entry_jumppad:
0x0: {  	(pc) =	sbr.rel $0x88, $3  }
0x1: {  	(tag) =	ssettag $0x0;
	lr =	simm.s32 $0x1  }
0x2: {  	[smem:$0x3F9A] =	sst lr;
	_ =	strace $0xD0000000  }
0x3: {  	_ = 	snop  }
0x4: {  	_ = 	snop  }
0x5: {  	_ = 	snop  }
0x6: {  	_ = 	snop  }
0x7: {  	_ = 	snop  }
__scs_overlays_trampoline_lowered:
0x8: {  	[smem:$0x3FA9] =	sst s0  }
0x9: {  	[smem:$0x3FAA] =	sst s1  }
0xa: {  	[smem:$0x3FAB] =	sst s2  }
0xb: {  	[smem:$0x3FAC] =	sst s3  }
0xc: {  	[smem:$0x3FAD] =	sst s4  }
0xd: {  	[smem:$0x3FAE] =	sst s5  }
0xe: {  	[smem:$0x3FAF] =	sst s6  }
0xf: {  	[smem:$0x3FB0] =	sst s7  }
0x10: {  	[smem:$0x3FB1] =	sst s8  }
0x11: {  	[smem:$0x3FB2] =	sst s9;
	s0 =	simm.s32 @!p0 $0x0  }
0x12: {  	s1 =	sld [smem:$0x3F98];
	s0 =	simm.s32 @p0 $0x1  }
0x13: {  	[smem:$0x3FB3] =	sst s0;
	s0 =	simm.s32 @!p1 $0x0  }
0x14: {  	s2 =	sld [smem:$0x3F97];
	s0 =	simm.s32 @p1 $0x1  }
0x15: {  	[smem:$0x3FB4] =	sst s0;
	s0 =	simm.s32 @!p2 $0x0  }
0x16: {  	s3 =	sld [smem:$0x3FDB];
	s0 =	simm.s32 @p2 $0x1  }
0x17: {  	s4 =	simm.s32 $0x1BF5;
	[smem:$0x3FB6] =	sst s0  }
0x18: {  	s0 =	sld [smem:$0x3F99];
	_ =	swait.ge [sflag:s4], $0x0  }
0x19: {  	s7 =	sld [smem:$0x3F9A]  }
0x1a: {  	s8 =	sadd.s32 $0xFFFFE003, lr  }
0x1b: {  	s9 =	sadd.s32 $0xFFFFFEF7, lr;
	s5 =	simm.s32 $0xFFFFFFFF;
	p2 =	slt.u32 s8, $0xFFFFF086  }
0x1c: {  	p1 =	slt.u32 s9, $0xF7A;
	s5 =	simm.s32 @!p2 $0x0  }
0x1d: {  	s5 =	simm.s32 @p1 $0x1;
	p0 =	seq.s32 s7, s2  }
0x1e: {  	s7 =	smul.u32 @!p0 $0xF7A, s2;
	p2 =	seq.s32 @!p0 s5, $0x0  }
0x1f: {  	s9 =	smul.u32 $0xF7A, s1;
	s8 =	simm.s32 @!p0 $0x1BF5;
	p2 =	por !p2, p0  }
0x20: {  	[sflag:s8] =	ssyncset.s32 @!p0 $0xFFFFF086;
	s6 =	sadd.s32 @!p0 s3, s7;
	s7 =	simm.s32 @!p0 $0x108  }
0x21: {  	s3 =	sadd.s32 s3, s9;
	s6 =	sadd.s32 @!p0 $0x88, s6;
	s7 =	simm.s32 @p2 $0x1082  }
0x22: {  	[simem:s7], [sflag:s8] =	dma.local @!p0 [hbm:s6], $0xF7A  }
0x23: {  	s9 =	sor.u32 $0xD0000000, s2;
	s6 =	simm.s32 $0x108;
	_ =	swait.ge @!p0 [sflag:s8], $0x0  }
0x24: {  	s3 =	sadd.s32 $0x88, s3;
	s6 =	simm.s32 @!p1 $0x1082;
	[sflag:s4] =	ssyncset.s32 $0xFFFFF086  }
0x25: {  	[simem:s6], [sflag:s4] =	dma.local [hbm:s3], $0xF7A  }
0x26: {  	[smem:$0x3F9A] =	sst s1;
	(tag) =	ssettag s2;
	_ =	strace s9  }
0x27: {  	s1 =	sld [smem:$0x3FAA]  }
0x28: {  	s2 =	sld [smem:$0x3FAB]  }
0x29: {  	s4 =	sld [smem:$0x3FAD]  }
0x2a: {  	p0 =	seq.s32 s5, $0x0;
	s5 =	sld [smem:$0x3FAE]  }
0x2b: {  	s6 =	sld [smem:$0x3FAF]  }
0x2c: {  	s7 =	sld [smem:$0x3FB0]  }
0x2d: {  	s3 =	simm.s32 $0x108;
	s8 =	sld [smem:$0x3FB1]  }
0x2e: {  	s3 =	simm.s32 @!p0 $0x1082;
	s9 =	sld [smem:$0x3FB2]  }
0x2f: {  	lr =	sadd.s32 s0, s3;
	s0 =	sld [smem:$0x3FA9]  }
0x30: {  	s3 =	sld [smem:$0x3FAC]  }
0x31: {  	[smem:$0x3FB5] =	sst s10  }
0x32: {  	s10 =	sld [smem:$0x3FB3];
	_ =	sdelay $0x3  }
0x33: {  	p0 =	seq.s32 s10, $0x1;
	s10 =	sld [smem:$0x3FB5];
	_ =	sdelay $0x3  }
0x34: {  	[smem:$0x3FB5] =	sst s10  }
0x35: {  	s10 =	sld [smem:$0x3FB4];
	_ =	sdelay $0x3  }
0x36: {  	p1 =	seq.s32 s10, $0x1;
	s10 =	sld [smem:$0x3FB5];
	_ =	sdelay $0x3  }
0x37: {  	[smem:$0x3FB5] =	sst s10  }
0x38: {  	s10 =	sld [smem:$0x3FB6]  }
0x39: {  	_ = 	snop;
	(pc) =	sbr.ind lr, $3  }
0x3a: {  	_ = 	snop  }
0x3b: {  	_ = 	snop  }
0x3c: {  	p2 =	seq.s32 s10, $0x1;
	s10 =	sld [smem:$0x3FB5]  }
0x3d: {  	_ =	shalt  }
0x3e: {  	_ =	shalt  }
0x3f: {  	_ =	shalt  }
0x40: {  	_ =	shalt  }
0x41: {  	_ =	shalt  }
0x42: {  	_ =	shalt  }
0x43: {  	_ =	shalt  }
0x44: {  	_ =	shalt  }
0x45: {  	_ =	shalt  }
0x46: {  	_ =	shalt  }
0x47: {  	_ =	shalt  }
0x48: {  	_ =	shalt  }
0x49: {  	_ =	shalt  }
0x4a: {  	_ =	shalt  }
0x4b: {  	_ =	shalt  }
0x4c: {  	_ =	shalt  }
0x4d: {  	_ =	shalt  }
0x4e: {  	_ =	shalt  }
0x4f: {  	_ =	shalt  }
0x50: {  	_ =	shalt  }
0x51: {  	_ =	shalt  }
0x52: {  	_ =	shalt  }
0x53: {  	_ =	shalt  }
0x54: {  	_ =	shalt  }
0x55: {  	_ =	shalt  }
0x56: {  	_ =	shalt  }
0x57: {  	_ =	shalt  }
0x58: {  	_ =	shalt  }
0x59: {  	_ =	shalt  }
0x5a: {  	_ =	shalt  }
0x5b: {  	_ =	shalt  }
0x5c: {  	_ =	shalt  }
0x5d: {  	_ =	shalt  }
0x5e: {  	_ =	shalt  }
0x5f: {  	_ =	shalt  }
0x60: {  	_ =	shalt  }
0x61: {  	_ =	shalt  }
0x62: {  	_ =	shalt  }
0x63: {  	_ =	shalt  }
0x64: {  	_ =	shalt  }
0x65: {  	_ =	shalt  }
0x66: {  	_ =	shalt  }
0x67: {  	_ =	shalt  }
0x68: {  	_ =	shalt  }
0x69: {  	_ =	shalt  }
0x6a: {  	_ =	shalt  }
0x6b: {  	_ =	shalt  }
0x6c: {  	_ =	shalt  }
0x6d: {  	_ =	shalt  }
0x6e: {  	_ =	shalt  }
0x6f: {  	_ =	shalt  }
0x70: {  	_ =	shalt  }
0x71: {  	_ =	shalt  }
0x72: {  	_ =	shalt  }
0x73: {  	_ =	shalt  }
0x74: {  	_ =	shalt  }
0x75: {  	_ =	shalt  }
0x76: {  	_ =	shalt  }
0x77: {  	_ =	shalt  }
0x78: {  	_ =	shalt  }
0x79: {  	_ =	shalt  }
0x7a: {  	_ =	shalt  }
0x7b: {  	_ =	shalt  }
0x7c: {  	_ =	shalt  }
0x7d: {  	_ =	shalt  }
0x7e: {  	_ =	shalt  }
0x7f: {  	_ =	shalt  }
0x80: {  	_ =	shalt  }
0x81: {  	_ =	shalt  }
0x82: {  	_ =	shalt  }
0x83: {  	_ =	shalt  }
0x84: {  	_ =	shalt  }
0x85: {  	_ =	shalt  }
0x86: {  	_ =	shalt  }
0x87: {  	_ =	shalt  }
.Lfunc_end0:
.L_simem_size_0:
called_computation.1_lowered:
.L_overlay_start_0:
0x88: {  	s2 =	sld [smem:$0x3FD9]  }
0x89: {  	s3 =	sld [smem:$0x3FFE];
	_ =	sdelay $0x1  }
0x8a: {  	s1 =	srdreg.scid  }
0x8b: {  	s0 =	sand.u32 $0x1, s1  }
0x8c: {  	s17 =	sshll.u32 s0, $0xA;
	s2 =	sadd.s32 s3, s2  }
0x8d: {  	s2 =	sadd.s32 s2, s17  }
0x8e: {  	[smem:$0x3FC1] =	sst s2  }
0x8f: {  	_ = 	snop  }
0x90: {  	s2 =	sld [smem:$0x3FD0];
	(tm) =	ssettm $0x1  }
0x91: {  	s18 =	sld [smem:$0x3FFB];
	_ =	sdelay $0x3  }
0x92: {  	_ =	strace s18  }
0x93: {  	s3 =	sld [smem:$0x3FFC];
	_ =	sdelay $0x3  }
0x94: {  	_ =	strace s3  }
0x95: {  	s3 =	sld [smem:$0x3FFD];
	_ =	sdelay $0x3  }
0x96: {  	_ =	strace s3  }
0x97: {  	_ =	strace $0x8FFFFFFF  }
0x98: {  	s19 =	sld [smem:$0x3FDB];
	_ =	sdelay $0x1  }
0x99: {  	s4 =	simm.s32 $_scs_section_size  }
0x9a: {  	s5 =	simm.s32 $_size__tile_overlayer_lowered;
	s6 =	simm.s32 $_tile_overlayer_lowered  }
0x9b: {  	s22 =	simm.s32 $0x1BFF;
	s21 =	sshll.u32 s6, $0x1;
	s3 =	sadd.s32 s4, s19  }
0x9c: {  	s7 =	simm.s32 $0x0;
	s20 =	sshll.u32 s5, $0x1;
	s5 =	sadd.s32 s21, s3  }
0x9d: {  	[timem:s7], [sflag:s22] =	dma.local [hbm:s5], s20  }
0x9e: {  	_ =	swait.ge [sflag:s22], s20  }
0x9f: {  	s4 =	ssub.s32 $0x0, s20;
	[sflag:s22] =	ssyncset.done $0x0  }
0xa0: {  	[sflag:s22] =	ssyncadd.s32 s4;
	_ =	sdelay $0x1  }
0xa1: {  	s23 =	simm.s32 $0x1B8B  }
0xa2: {  	_ =	swait.ge [sflag:s23], $0x1  }
0xa3: {  	[sflag:s23] =	ssyncset.done $0x0  }
0xa4: {  	s25 =	simm.s32 $0x1B8E;
	s24 =	sld [smem:$0x3FFE];
	[sflag:s23] =	ssyncadd.s32 $0xFFFFFFFF  }
0xa5: {  	s26 =	simm.s32 $execute0_lowered;
	[smem:$0x3FD2] =	sst s25  }
0xa6: {  	s5 =	sshll.u32 s26, $0x1;
	_ =	strace $0x80000049;
	[dreg:$0x1] =	wrdreg $0xFFFFFFFF  }
0xa7: {  	s28 =	simm.s32 $_size_execute0_lowered;
	s3 =	sadd.s32 s3, s5;
	[dreg:$0x0] =	wrdreg $0x0  }
0xa8: {  	s5 =	sshll.u32 s28, $0x1;
	[dreg:$0x2] =	wrdreg s3  }
0xa9: {  	[dreg:$0x3] =	wrdreg s5  }
0xaa: {  	[dreg:$0x4] =	wrdreg $0xC0  }
0xab: {  	_ =	task [dreg:s7], $0x5FFFF  }
0xac: {  	[dreg:$0x1] =	wrdreg $0xFFFFFFFF  }
0xad: {  	[dreg:$0x0] =	wrdreg $0x60  }
0xae: {  	[dreg:$0x2] =	wrdreg s24  }
0xaf: {  	[dreg:$0x3] =	wrdreg s2  }
0xb0: {  	[dreg:$0x4] =	wrdreg $0x9  }
0xb1: {  	_ =	task.clear_ibuf [dreg:s7], $0x5FFFF;
	_ =	strace $0x90000049  }
0xb2: {  	s29 =	simm.s32 $0x9;
	_ =	strace $0x8000004B  }
0xb3: {  	_ =	swait.ge [sflag:s29], $0x1  }
0xb4: {  	[sflag:s29] =	ssyncadd.s32 $0xFFFFFFFF  }
0xb5: {  	_ =	strace $0x9000004B  }
0xb6: {  	_ =	sfence  }
0xb7: {  	s30 =	sld [smem:$0x0];
	_ =	sdelay $0x2  }
0xb8: {  	s31 =	sshll.u32 s1, $0xD;
	s1 =	sshrl.u32 s1, $0x2  }
0xb9: {  	s3 =	sand.u32 $0x4000, s31;
	s1 =	sadd.s32 s1, s30  }
0xba: {  	s0 =	sor.u32 s3, s0;
	s1 =	sshll.u32 s1, $0x11  }
0xbb: {  	s0 =	sor.u32 s1, s0  }
0xbc: {  	s0 =	sadd.s32 $0x8F2B, s0  }
0xbd: {  	[sflag:s0] =	ssyncadd.remote.s32 $0x1  }
0xbe: {  	_ =	sfence.sel $0xFFFF  }
0xbf: {  	[dreg:$0x0] =	wrdreg $0xFFFFFFFF;
	(pc) =	sbr.abs _section_cstart, $3  }
0xc0: {  	[dreg:$0x1] =	wrdreg $0xFFFFFFFF  }
0xc1: {  	_ =	task.clear_ibuf [dreg:s7], $0x2FFFF;
	_ =	strace $0x9FFFFFFF  }
0xc2: {  	(tm) =	ssettm $0x7FFFFFFF  }
0xc3: {  	_ =	shalt  }
tec
execute0_lowered:
.L_overlay_start_1:
0x0: {  	(tag) =	ssettag $0x1  }
0x1: {  	s1 =	srdreg.scid  }
0x2: {  	s9 =	rddreg [dreg:$0x0];
	s0 =	stileid.u32;
	s15 =	sand.u32 $0x1, s1  }
0x3: {  	s14 =	rddreg [dreg:$0x1];
	s3 =	sshll.u32 s0, $0x9;
	s4 =	sshll.u32 s15, $0x8  }
0x4: {  	s2 =	simm.s32 $0x0;
	s1 =	rddreg [dreg:$0x2];
	s16 =	sor.u32 s4, s3  }
0x5: {  	[smem:$0x7FF] =	sst s2;
	s3 =	sshrl.u32 s16, $0x3  }
0x6: {  	_ =	strace $0x8000004A;
	s4 =	sadd.s32 s14, s3;
	s3 =	simm.s32 $0x2  }
0x7: {  	[tilespmem:s2], [sflag:$0x2] =	stream.linear.gather [hbm4b:s4+s2], $0x40, $0x38;
	[tilespmem:$0x2080] =	vst v63  }
0x8: {  	_ =	swait.ge [sflag:s3], $0x40  }
0x9: {  	s6 =	simm.s32 $0x40;
	s7 =	simm.s32 $0x80;
	[sflag:s3] =	ssyncset.done $0x0  }
0xa: {  	s8 =	simm.s32 $0x1;
	s5 =	sadd.s32 $0x102600, s9;
	[sflag:s3] =	ssyncadd.s32 $0xFFFFFFC0  }
0xb: {  	[tilespmem:s7], [sflag:$0x1] =	stream.indirect.gather [hbm4b:s5+s6], $0x80, s2, s6, $0xb8;
	[tilespmem:$0x2080] =	vst v63  }
0xc: {  	_ =	swait.ge [sflag:s8], $0x2000  }
0xd: {  	s17 =	sadd.s32 $0x2600, s9;
	s28 =	sshll.u32 s16, $0x4;
	[sflag:s8] =	ssyncset.done $0x0  }
0xe: {  	s9 =	sadd.s32 s17, s28;
	[sflag:s8] =	ssyncadd.s32 $0xFFFFE000  }
0xf: {  	[hbm4b:s9+s2] =	stream.linear.scatter [tilespmem:s7], [sflag:$0x2], $0x2000, $0x38;
	[tilespmem:$0x2080] =	vst v63  }
0x10: {  	s11 =	sor.u32 $0x40, s16;
	_ =	swait.ge [sflag:s3], $0x2000  }
0x11: {  	s10 =	sshrl.u32 s11, $0x3;
	[sflag:s3] =	ssyncset.done $0x0  }
0x12: {  	s10 =	sadd.s32 s14, s10;
	[sflag:s3] =	ssyncadd.s32 $0xFFFFE000  }
0x13: {  	[tilespmem:s2], [sflag:$0x2] =	stream.linear.gather [hbm4b:s10+s2], $0x40, $0x38;
	[tilespmem:$0x2080] =	vst v63  }
0x14: {  	_ =	swait.ge [sflag:s3], $0x40  }
0x15: {  	[sflag:s3] =	ssyncset.done $0x0  }
0x16: {  	[sflag:s3] =	ssyncadd.s32 $0xFFFFFFC0  }
0x17: {  	[tilespmem:s7], [sflag:$0x1] =	stream.indirect.gather [hbm4b:s5+s6], $0x80, s2, s6, $0xb8;
	[tilespmem:$0x2080] =	vst v63  }
0x18: {  	_ =	swait.ge [sflag:s8], $0x2000  }
0x19: {  	s11 =	sshll.u32 s11, $0x4;
	[sflag:s8] =	ssyncset.done $0x0  }
0x1a: {  	s11 =	sadd.s32 s17, s11;
	[sflag:s8] =	ssyncadd.s32 $0xFFFFE000  }
0x1b: {  	[hbm4b:s11+s2] =	stream.linear.scatter [tilespmem:s7], [sflag:$0x2], $0x2000, $0x38;
	[tilespmem:$0x2080] =	vst v63  }
0x1c: {  	s13 =	sor.u32 $0x80, s16;
	_ =	swait.ge [sflag:s3], $0x2000  }
0x1d: {  	s12 =	sshrl.u32 s13, $0x3;
	[sflag:s3] =	ssyncset.done $0x0  }
0x1e: {  	s12 =	sadd.s32 s14, s12;
	[sflag:s3] =	ssyncadd.s32 $0xFFFFE000  }
0x1f: {  	[tilespmem:s2], [sflag:$0x2] =	stream.linear.gather [hbm4b:s12+s2], $0x40, $0x38;
	[tilespmem:$0x2080] =	vst v63  }
0x20: {  	_ =	swait.ge [sflag:s3], $0x40  }
0x21: {  	[sflag:s3] =	ssyncset.done $0x0  }
0x22: {  	[sflag:s3] =	ssyncadd.s32 $0xFFFFFFC0  }
0x23: {  	[tilespmem:s7], [sflag:$0x1] =	stream.indirect.gather [hbm4b:s5+s6], $0x80, s2, s6, $0xb8;
	[tilespmem:$0x2080] =	vst v63  }
0x24: {  	_ =	swait.ge [sflag:s8], $0x2000  }
0x25: {  	s13 =	sshll.u32 s13, $0x4;
	[sflag:s8] =	ssyncset.done $0x0  }
0x26: {  	s13 =	sadd.s32 s17, s13;
	[sflag:s8] =	ssyncadd.s32 $0xFFFFE000  }
0x27: {  	[hbm4b:s13+s2] =	stream.linear.scatter [tilespmem:s7], [sflag:$0x2], $0x2000, $0x38;
	[tilespmem:$0x2080] =	vst v63  }
0x28: {  	s16 =	sor.u32 $0xC0, s16;
	_ =	swait.ge [sflag:s3], $0x2000  }
0x29: {  	s18 =	sshrl.u32 s16, $0x3;
	[sflag:s3] =	ssyncset.done $0x0  }
0x2a: {  	s15 =	ssub.s32 $0x2, s15;
	s14 =	sadd.s32 s14, s18;
	[sflag:s3] =	ssyncadd.s32 $0xFFFFE000  }
0x2b: {  	[tilespmem:s2], [sflag:$0x2] =	stream.linear.gather [hbm4b:s14+s2], $0x40, $0x38;
	[tilespmem:$0x2080] =	vst v63  }
0x2c: {  	s29 =	sshrl.u32 s15, $0x1;
	_ =	swait.ge [sflag:s3], $0x40  }
0x2d: {  	s18 =	ssub.s32 s15, s29;
	[sflag:s3] =	ssyncset.done $0x0  }
0x2e: {  	s31 =	smax.u32 s18, $0x1;
	[sflag:s3] =	ssyncadd.s32 $0xFFFFFFC0  }
0x2f: {  	[tilespmem:s7], [sflag:$0x1] =	stream.indirect.gather [hbm4b:s5+s6], $0x80, s2, s6, $0xb8;
	[tilespmem:$0x2080] =	vst v63  }
0x30: {  	p0 =	sne.s32 s31, $0x1;
	_ =	swait.ge [sflag:s8], $0x2000  }
.Ltmp0:
0x31: {  	s30 =	sshll.u32 s16, $0x4;
	[sflag:s8] =	ssyncset.done $0x0;
	(pc) =	sbr.rel @!p0 .LBB2_2-.Ltmp0, $4  }
0x32: {  	s15 =	sadd.s32 s17, s30;
	[sflag:s8] =	ssyncadd.s32 $0xFFFFE000  }
0x33: {  	[hbm4b:s15+s2] =	stream.linear.scatter [tilespmem:s7], [sflag:$0x2], $0x2000, $0x38;
	[tilespmem:$0x2080] =	vst v63  }
0x34: {  	_ =	swait.ge [sflag:s3], $0x2000  }
0x35: {  	s16 =	sadd.s32 $0xFFFFFFFF, s31;
	[sflag:s3] =	ssyncset.done $0x0  }
.LBB2_1:
0x36: {  	p0 =	sne.s32 s16, $0x1;
	s16 =	sadd.s32 $0xFFFFFFFF, s16;
	[sflag:s3] =	ssyncadd.s32 $0xFFFFE000  }
0x37: {  	[tilespmem:s2], [sflag:$0x2] =	stream.linear.gather [hbm4b:s4+s2], $0x40, $0x38;
	[tilespmem:$0x2080] =	vst v63  }
0x38: {  	_ =	swait.ge [sflag:s3], $0x40  }
0x39: {  	[sflag:s3] =	ssyncset.done $0x0  }
0x3a: {  	[sflag:s3] =	ssyncadd.s32 $0xFFFFFFC0  }
0x3b: {  	[tilespmem:s7], [sflag:$0x1] =	stream.indirect.gather [hbm4b:s5+s6], $0x80, s2, s6, $0xb8;
	[tilespmem:$0x2080] =	vst v63  }
0x3c: {  	_ =	swait.ge [sflag:s8], $0x2000  }
0x3d: {  	[sflag:s8] =	ssyncset.done $0x0  }
0x3e: {  	[sflag:s8] =	ssyncadd.s32 $0xFFFFE000  }
0x3f: {  	[hbm4b:s9+s2] =	stream.linear.scatter [tilespmem:s7], [sflag:$0x2], $0x2000, $0x38;
	[tilespmem:$0x2080] =	vst v63  }
0x40: {  	_ =	swait.ge [sflag:s3], $0x2000  }
0x41: {  	[sflag:s3] =	ssyncset.done $0x0  }
0x42: {  	[sflag:s3] =	ssyncadd.s32 $0xFFFFE000  }
0x43: {  	[tilespmem:s2], [sflag:$0x2] =	stream.linear.gather [hbm4b:s10+s2], $0x40, $0x38;
	[tilespmem:$0x2080] =	vst v63  }
0x44: {  	_ =	swait.ge [sflag:s3], $0x40  }
0x45: {  	[sflag:s3] =	ssyncset.done $0x0  }
0x46: {  	[sflag:s3] =	ssyncadd.s32 $0xFFFFFFC0  }
0x47: {  	[tilespmem:s7], [sflag:$0x1] =	stream.indirect.gather [hbm4b:s5+s6], $0x80, s2, s6, $0xb8;
	[tilespmem:$0x2080] =	vst v63  }
0x48: {  	_ =	swait.ge [sflag:s8], $0x2000  }
0x49: {  	[sflag:s8] =	ssyncset.done $0x0  }
0x4a: {  	[sflag:s8] =	ssyncadd.s32 $0xFFFFE000  }
0x4b: {  	[hbm4b:s11+s2] =	stream.linear.scatter [tilespmem:s7], [sflag:$0x2], $0x2000, $0x38;
	[tilespmem:$0x2080] =	vst v63  }
0x4c: {  	_ =	swait.ge [sflag:s3], $0x2000  }
0x4d: {  	[sflag:s3] =	ssyncset.done $0x0  }
0x4e: {  	[sflag:s3] =	ssyncadd.s32 $0xFFFFE000  }
0x4f: {  	[tilespmem:s2], [sflag:$0x2] =	stream.linear.gather [hbm4b:s12+s2], $0x40, $0x38;
	[tilespmem:$0x2080] =	vst v63  }
0x50: {  	_ =	swait.ge [sflag:s3], $0x40  }
0x51: {  	[sflag:s3] =	ssyncset.done $0x0  }
0x52: {  	[sflag:s3] =	ssyncadd.s32 $0xFFFFFFC0  }
0x53: {  	[tilespmem:s7], [sflag:$0x1] =	stream.indirect.gather [hbm4b:s5+s6], $0x80, s2, s6, $0xb8;
	[tilespmem:$0x2080] =	vst v63  }
0x54: {  	_ =	swait.ge [sflag:s8], $0x2000  }
0x55: {  	[sflag:s8] =	ssyncset.done $0x0  }
0x56: {  	[sflag:s8] =	ssyncadd.s32 $0xFFFFE000  }
0x57: {  	[hbm4b:s13+s2] =	stream.linear.scatter [tilespmem:s7], [sflag:$0x2], $0x2000, $0x38;
	[tilespmem:$0x2080] =	vst v63  }
0x58: {  	_ =	swait.ge [sflag:s3], $0x2000  }
0x59: {  	[sflag:s3] =	ssyncset.done $0x0  }
0x5a: {  	[sflag:s3] =	ssyncadd.s32 $0xFFFFE000  }
0x5b: {  	[tilespmem:s2], [sflag:$0x2] =	stream.linear.gather [hbm4b:s14+s2], $0x40, $0x38;
	[tilespmem:$0x2080] =	vst v63  }
0x5c: {  	_ =	swait.ge [sflag:s3], $0x40  }
0x5d: {  	[sflag:s3] =	ssyncset.done $0x0  }
0x5e: {  	[sflag:s3] =	ssyncadd.s32 $0xFFFFFFC0  }
0x5f: {  	[tilespmem:s7], [sflag:$0x1] =	stream.indirect.gather [hbm4b:s5+s6], $0x80, s2, s6, $0xb8;
	[tilespmem:$0x2080] =	vst v63  }
0x60: {  	_ =	swait.ge [sflag:s8], $0x2000  }
.Ltmp1:
0x61: {  	[sflag:s8] =	ssyncset.done $0x0;
	(pc) =	sbr.rel @p0 .LBB2_1-.Ltmp1, $4  }
0x62: {  	[sflag:s8] =	ssyncadd.s32 $0xFFFFE000  }
0x63: {  	[hbm4b:s15+s2] =	stream.linear.scatter [tilespmem:s7], [sflag:$0x2], $0x2000, $0x38;
	[tilespmem:$0x2080] =	vst v63  }
0x64: {  	_ =	swait.ge [sflag:s3], $0x2000  }
0x65: {  	[sflag:s3] =	ssyncset.done $0x0  }
.LBB2_2:
0x66: {  	[sflag:s3] =	ssyncadd.s32 $0xFFFFE000  }
0x67: {  	_ =	sfence.sel $0x180000  }
0x68: {  	[bflag:$0x0] =	sbarrier.arrive $0xFFFF  }
0x69: {  	p0 =	sne.s32 s0, $0x0;
	_ =	strace $0x9000004A  }
0x6a: {  	s0 =	sadd.s32 @!p0 $0x100000, s1;
	[bflag:$0x2] =	sbarrier.arrive $0xFFFF  }
0x6b: {  	[sflag:s0] =	ssyncadd.tile.s32 @!p0 $0x1;
	_ =	shalt  }
.Lfunc_end2:
_tile_overlayer_lowered:
.L_overlay_start_2:
0x6c: {  	(tag) =	ssettag $0x2  }
0x6d: {  	s0 =	rddreg [dreg:$0x0];
	s2 =	stileid.u32  }
0x6e: {  	s1 =	rddreg [dreg:$0x1];
	p0 =	sne.s32 s2, $0x0  }
0x6f: {  	s3 =	rddreg [dreg:$0x2];
	[bflag:$0x3] =	sbarrier.arrive $0xFFFF;
	s2 =	simm.s32 @!p0 $0x1C02  }
0x70: {  	[timem:s3], [sflag:s2] =	dma.local @!p0 [hbm:s0], s1  }
0x71: {  	s0 =	simm.s32 @!p0 $0x2  }
0x72: {  	_ =	swait.ge @!p0 [sflag:s0], s1  }
0x73: {  	s1 =	ssub.s32 @!p0 $0x0, s1;
	[sflag:s0] =	ssyncset.done @!p0 $0x0  }
0x74: {  	[sflag:s0] =	ssyncadd.s32 @!p0 s1  }
0x75: {  	[bflag:$0x3] =	sbarrier.arrive $0xFFFF  }
0x76: {  	_ =	shalt  }

// kernel: kernel.7.cloned.1.call-start
scs
__scs_entry_jumppad:
0x0: {  	(pc) =	sbr.rel $0x88, $3  }
0x1: {  	(tag) =	ssettag $0x0;
	lr =	simm.s32 $0x1  }
0x2: {  	[smem:$0x3F9A] =	sst lr;
	_ =	strace $0xD0000000  }
0x3: {  	_ = 	snop  }
0x4: {  	_ = 	snop  }
0x5: {  	_ = 	snop  }
0x6: {  	_ = 	snop  }
0x7: {  	_ = 	snop  }
__scs_overlays_trampoline_lowered:
0x8: {  	[smem:$0x3FA9] =	sst s0  }
0x9: {  	[smem:$0x3FAA] =	sst s1  }
0xa: {  	[smem:$0x3FAB] =	sst s2  }
0xb: {  	[smem:$0x3FAC] =	sst s3  }
0xc: {  	[smem:$0x3FAD] =	sst s4  }
0xd: {  	[smem:$0x3FAE] =	sst s5  }
0xe: {  	[smem:$0x3FAF] =	sst s6  }
0xf: {  	[smem:$0x3FB0] =	sst s7  }
0x10: {  	[smem:$0x3FB1] =	sst s8  }
0x11: {  	[smem:$0x3FB2] =	sst s9;
	s0 =	simm.s32 @!p0 $0x0  }
0x12: {  	s1 =	sld [smem:$0x3F98];
	s0 =	simm.s32 @p0 $0x1  }
0x13: {  	[smem:$0x3FB3] =	sst s0;
	s0 =	simm.s32 @!p1 $0x0  }
0x14: {  	s2 =	sld [smem:$0x3F97];
	s0 =	simm.s32 @p1 $0x1  }
0x15: {  	[smem:$0x3FB4] =	sst s0;
	s0 =	simm.s32 @!p2 $0x0  }
0x16: {  	s3 =	sld [smem:$0x3FDB];
	s0 =	simm.s32 @p2 $0x1  }
0x17: {  	s4 =	simm.s32 $0x1BF5;
	[smem:$0x3FB6] =	sst s0  }
0x18: {  	s0 =	sld [smem:$0x3F99];
	_ =	swait.ge [sflag:s4], $0x0  }
0x19: {  	s7 =	sld [smem:$0x3F9A]  }
0x1a: {  	s8 =	sadd.s32 $0xFFFFE003, lr  }
0x1b: {  	s9 =	sadd.s32 $0xFFFFFEF7, lr;
	s5 =	simm.s32 $0xFFFFFFFF;
	p2 =	slt.u32 s8, $0xFFFFF086  }
0x1c: {  	p1 =	slt.u32 s9, $0xF7A;
	s5 =	simm.s32 @!p2 $0x0  }
0x1d: {  	s5 =	simm.s32 @p1 $0x1;
	p0 =	seq.s32 s7, s2  }
0x1e: {  	s7 =	smul.u32 @!p0 $0xF7A, s2;
	p2 =	seq.s32 @!p0 s5, $0x0  }
0x1f: {  	s9 =	smul.u32 $0xF7A, s1;
	s8 =	simm.s32 @!p0 $0x1BF5;
	p2 =	por !p2, p0  }
0x20: {  	[sflag:s8] =	ssyncset.s32 @!p0 $0xFFFFF086;
	s6 =	sadd.s32 @!p0 s3, s7;
	s7 =	simm.s32 @!p0 $0x108  }
0x21: {  	s3 =	sadd.s32 s3, s9;
	s6 =	sadd.s32 @!p0 $0x88, s6;
	s7 =	simm.s32 @p2 $0x1082  }
0x22: {  	[simem:s7], [sflag:s8] =	dma.local @!p0 [hbm:s6], $0xF7A  }
0x23: {  	s9 =	sor.u32 $0xD0000000, s2;
	s6 =	simm.s32 $0x108;
	_ =	swait.ge @!p0 [sflag:s8], $0x0  }
0x24: {  	s3 =	sadd.s32 $0x88, s3;
	s6 =	simm.s32 @!p1 $0x1082;
	[sflag:s4] =	ssyncset.s32 $0xFFFFF086  }
0x25: {  	[simem:s6], [sflag:s4] =	dma.local [hbm:s3], $0xF7A  }
0x26: {  	[smem:$0x3F9A] =	sst s1;
	(tag) =	ssettag s2;
	_ =	strace s9  }
0x27: {  	s1 =	sld [smem:$0x3FAA]  }
0x28: {  	s2 =	sld [smem:$0x3FAB]  }
0x29: {  	s4 =	sld [smem:$0x3FAD]  }
0x2a: {  	p0 =	seq.s32 s5, $0x0;
	s5 =	sld [smem:$0x3FAE]  }
0x2b: {  	s6 =	sld [smem:$0x3FAF]  }
0x2c: {  	s7 =	sld [smem:$0x3FB0]  }
0x2d: {  	s3 =	simm.s32 $0x108;
	s8 =	sld [smem:$0x3FB1]  }
0x2e: {  	s3 =	simm.s32 @!p0 $0x1082;
	s9 =	sld [smem:$0x3FB2]  }
0x2f: {  	lr =	sadd.s32 s0, s3;
	s0 =	sld [smem:$0x3FA9]  }
0x30: {  	s3 =	sld [smem:$0x3FAC]  }
0x31: {  	[smem:$0x3FB5] =	sst s10  }
0x32: {  	s10 =	sld [smem:$0x3FB3];
	_ =	sdelay $0x3  }
0x33: {  	p0 =	seq.s32 s10, $0x1;
	s10 =	sld [smem:$0x3FB5];
	_ =	sdelay $0x3  }
0x34: {  	[smem:$0x3FB5] =	sst s10  }
0x35: {  	s10 =	sld [smem:$0x3FB4];
	_ =	sdelay $0x3  }
0x36: {  	p1 =	seq.s32 s10, $0x1;
	s10 =	sld [smem:$0x3FB5];
	_ =	sdelay $0x3  }
0x37: {  	[smem:$0x3FB5] =	sst s10  }
0x38: {  	s10 =	sld [smem:$0x3FB6]  }
0x39: {  	_ = 	snop;
	(pc) =	sbr.ind lr, $3  }
0x3a: {  	_ = 	snop  }
0x3b: {  	_ = 	snop  }
0x3c: {  	p2 =	seq.s32 s10, $0x1;
	s10 =	sld [smem:$0x3FB5]  }
0x3d: {  	_ =	shalt  }
0x3e: {  	_ =	shalt  }
0x3f: {  	_ =	shalt  }
0x40: {  	_ =	shalt  }
0x41: {  	_ =	shalt  }
0x42: {  	_ =	shalt  }
0x43: {  	_ =	shalt  }
0x44: {  	_ =	shalt  }
0x45: {  	_ =	shalt  }
0x46: {  	_ =	shalt  }
0x47: {  	_ =	shalt  }
0x48: {  	_ =	shalt  }
0x49: {  	_ =	shalt  }
0x4a: {  	_ =	shalt  }
0x4b: {  	_ =	shalt  }
0x4c: {  	_ =	shalt  }
0x4d: {  	_ =	shalt  }
0x4e: {  	_ =	shalt  }
0x4f: {  	_ =	shalt  }
0x50: {  	_ =	shalt  }
0x51: {  	_ =	shalt  }
0x52: {  	_ =	shalt  }
0x53: {  	_ =	shalt  }
0x54: {  	_ =	shalt  }
0x55: {  	_ =	shalt  }
0x56: {  	_ =	shalt  }
0x57: {  	_ =	shalt  }
0x58: {  	_ =	shalt  }
0x59: {  	_ =	shalt  }
0x5a: {  	_ =	shalt  }
0x5b: {  	_ =	shalt  }
0x5c: {  	_ =	shalt  }
0x5d: {  	_ =	shalt  }
0x5e: {  	_ =	shalt  }
0x5f: {  	_ =	shalt  }
0x60: {  	_ =	shalt  }
0x61: {  	_ =	shalt  }
0x62: {  	_ =	shalt  }
0x63: {  	_ =	shalt  }
0x64: {  	_ =	shalt  }
0x65: {  	_ =	shalt  }
0x66: {  	_ =	shalt  }
0x67: {  	_ =	shalt  }
0x68: {  	_ =	shalt  }
0x69: {  	_ =	shalt  }
0x6a: {  	_ =	shalt  }
0x6b: {  	_ =	shalt  }
0x6c: {  	_ =	shalt  }
0x6d: {  	_ =	shalt  }
0x6e: {  	_ =	shalt  }
0x6f: {  	_ =	shalt  }
0x70: {  	_ =	shalt  }
0x71: {  	_ =	shalt  }
0x72: {  	_ =	shalt  }
0x73: {  	_ =	shalt  }
0x74: {  	_ =	shalt  }
0x75: {  	_ =	shalt  }
0x76: {  	_ =	shalt  }
0x77: {  	_ =	shalt  }
0x78: {  	_ =	shalt  }
0x79: {  	_ =	shalt  }
0x7a: {  	_ =	shalt  }
0x7b: {  	_ =	shalt  }
0x7c: {  	_ =	shalt  }
0x7d: {  	_ =	shalt  }
0x7e: {  	_ =	shalt  }
0x7f: {  	_ =	shalt  }
0x80: {  	_ =	shalt  }
0x81: {  	_ =	shalt  }
0x82: {  	_ =	shalt  }
0x83: {  	_ =	shalt  }
0x84: {  	_ =	shalt  }
0x85: {  	_ =	shalt  }
0x86: {  	_ =	shalt  }
0x87: {  	_ =	shalt  }
.Lfunc_end0:
.L_simem_size_0:
called_computation_lowered:
.L_overlay_start_0:
0x88: {  	s2 =	sld [smem:$0x3FD9]  }
0x89: {  	s3 =	sld [smem:$0x3FFE];
	_ =	sdelay $0x1  }
0x8a: {  	s1 =	srdreg.scid  }
0x8b: {  	s0 =	sand.u32 $0x1, s1  }
0x8c: {  	s17 =	sshll.u32 s0, $0xA;
	s2 =	sadd.s32 s3, s2  }
0x8d: {  	s2 =	sadd.s32 s2, s17  }
0x8e: {  	[smem:$0x3FC1] =	sst s2  }
0x8f: {  	_ = 	snop  }
0x90: {  	s2 =	sld [smem:$0x3FD0];
	(tm) =	ssettm $0x1  }
0x91: {  	s18 =	sld [smem:$0x3FFB];
	_ =	sdelay $0x3  }
0x92: {  	_ =	strace s18  }
0x93: {  	s3 =	sld [smem:$0x3FFC];
	_ =	sdelay $0x3  }
0x94: {  	_ =	strace s3  }
0x95: {  	s3 =	sld [smem:$0x3FFD];
	_ =	sdelay $0x3  }
0x96: {  	_ =	strace s3  }
0x97: {  	_ =	strace $0x8FFFFFFF  }
0x98: {  	s19 =	sld [smem:$0x3FDB];
	_ =	sdelay $0x1  }
0x99: {  	s4 =	simm.s32 $_scs_section_size  }
0x9a: {  	s5 =	simm.s32 $_size__tile_overlayer_lowered;
	s6 =	simm.s32 $_tile_overlayer_lowered  }
0x9b: {  	s22 =	simm.s32 $0x1BFF;
	s21 =	sshll.u32 s6, $0x1;
	s3 =	sadd.s32 s4, s19  }
0x9c: {  	s7 =	simm.s32 $0x0;
	s20 =	sshll.u32 s5, $0x1;
	s5 =	sadd.s32 s21, s3  }
0x9d: {  	[timem:s7], [sflag:s22] =	dma.local [hbm:s5], s20  }
0x9e: {  	_ =	swait.ge [sflag:s22], s20  }
0x9f: {  	s4 =	ssub.s32 $0x0, s20;
	[sflag:s22] =	ssyncset.done $0x0  }
0xa0: {  	[sflag:s22] =	ssyncadd.s32 s4;
	_ =	sdelay $0x1  }
0xa1: {  	s23 =	simm.s32 $0x1B8B  }
0xa2: {  	_ =	swait.ge [sflag:s23], $0x1  }
0xa3: {  	[sflag:s23] =	ssyncset.done $0x0  }
0xa4: {  	s25 =	simm.s32 $0x1B8E;
	s24 =	sld [smem:$0x3FFE];
	[sflag:s23] =	ssyncadd.s32 $0xFFFFFFFF  }
0xa5: {  	s26 =	simm.s32 $execute0_lowered;
	[smem:$0x3FD2] =	sst s25  }
0xa6: {  	s5 =	sshll.u32 s26, $0x1;
	_ =	strace $0x80000046;
	[dreg:$0x1] =	wrdreg $0xFFFFFFFF  }
0xa7: {  	s28 =	simm.s32 $_size_execute0_lowered;
	s3 =	sadd.s32 s3, s5;
	[dreg:$0x0] =	wrdreg $0x0  }
0xa8: {  	s5 =	sshll.u32 s28, $0x1;
	[dreg:$0x2] =	wrdreg s3  }
0xa9: {  	[dreg:$0x3] =	wrdreg s5  }
0xaa: {  	[dreg:$0x4] =	wrdreg $0xC0  }
0xab: {  	_ =	task [dreg:s7], $0x5FFFF  }
0xac: {  	[dreg:$0x1] =	wrdreg $0xFFFFFFFF  }
0xad: {  	[dreg:$0x0] =	wrdreg $0x60  }
0xae: {  	[dreg:$0x2] =	wrdreg s24  }
0xaf: {  	[dreg:$0x3] =	wrdreg s2  }
0xb0: {  	[dreg:$0x4] =	wrdreg $0x9  }
0xb1: {  	_ =	task.clear_ibuf [dreg:s7], $0x5FFFF;
	_ =	strace $0x90000046  }
0xb2: {  	s29 =	simm.s32 $0x9;
	_ =	strace $0x80000048  }
0xb3: {  	_ =	swait.ge [sflag:s29], $0x1  }
0xb4: {  	[sflag:s29] =	ssyncadd.s32 $0xFFFFFFFF  }
0xb5: {  	_ =	strace $0x90000048  }
0xb6: {  	_ =	sfence  }
0xb7: {  	s30 =	sld [smem:$0x0];
	_ =	sdelay $0x2  }
0xb8: {  	s31 =	sshll.u32 s1, $0xD;
	s1 =	sshrl.u32 s1, $0x2  }
0xb9: {  	s3 =	sand.u32 $0x4000, s31;
	s1 =	sadd.s32 s1, s30  }
0xba: {  	s0 =	sor.u32 s3, s0;
	s1 =	sshll.u32 s1, $0x11  }
0xbb: {  	s0 =	sor.u32 s1, s0  }
0xbc: {  	s0 =	sadd.s32 $0x8F2B, s0  }
0xbd: {  	[sflag:s0] =	ssyncadd.remote.s32 $0x1  }
0xbe: {  	_ =	sfence.sel $0xFFFF  }
0xbf: {  	[dreg:$0x0] =	wrdreg $0xFFFFFFFF;
	(pc) =	sbr.abs _section_cstart, $3  }
0xc0: {  	[dreg:$0x1] =	wrdreg $0xFFFFFFFF  }
0xc1: {  	_ =	task.clear_ibuf [dreg:s7], $0x2FFFF;
	_ =	strace $0x9FFFFFFF  }
0xc2: {  	(tm) =	ssettm $0x7FFFFFFF  }
0xc3: {  	_ =	shalt  }
tec
execute0_lowered:
.L_overlay_start_1:
0x0: {  	(tag) =	ssettag $0x1  }
0x1: {  	s0 =	rddreg [dreg:$0x0]  }
0x2: {  	s1 =	rddreg [dreg:$0x1]  }
0x3: {  	s3 =	srdreg.scid;
	s2 =	simm.s32 $0x0;
	s4 =	stileid.u32  }
0x4: {  	s18 =	simm.s32 $0x1;
	s3 =	sand.u32 $0x1, s3;
	[smem:$0x7FF] =	sst s2  }
0x5: {  	s4 =	sshll.u32 s4, $0x9;
	s8 =	sadd.s32 $0x2600, s0;
	s5 =	sshll.u32 s3, $0x8  }
0x6: {  	_ =	strace $0x80000047;
	s6 =	ssub.s32 $0x2, s3;
	s3 =	sadd.s32 $0x189000, s0  }
0x7: {  	s7 =	sor.u32 s5, s4;
	s21 =	sshrl.u32 s6, $0x1;
	s4 =	sadd.s32 $0x189100, s0  }
0x8: {  	s5 =	sshrl.u32 s7, $0x3;
	s9 =	ssub.s32 s6, s21;
	s23 =	sshll.u32 s7, $0x7  }
0x9: {  	s24 =	sor.u32 $0x40, s7;
	s26 =	sor.u32 $0x80, s7;
	s7 =	sor.u32 $0xC0, s7  }
0xa: {  	s22 =	sadd.s32 s1, s5;
	s5 =	sadd.s32 s8, s23;
	s10 =	sshrl.u32 s24, $0x3  }
0xb: {  	s6 =	sshll.u32 s24, $0x7;
	s28 =	sshrl.u32 s26, $0x3;
	[dreg:$0x3] =	wrdreg s22  }
0xc: {  	s30 =	sshrl.u32 s7, $0x3;
	[dreg:$0x4] =	wrdreg s5;
	s25 =	sadd.s32 s1, s10  }
0xd: {  	s7 =	sshll.u32 s7, $0x7;
	s6 =	sadd.s32 s8, s6;
	[dreg:$0x5] =	wrdreg s25  }
0xe: {  	s23 =	simm.s32 $0x80;
	s31 =	sadd.s32 s8, s7;
	[dreg:$0x6] =	wrdreg s6  }
0xf: {  	s10 =	sshll.u32 s26, $0x7;
	s6 =	sadd.s32 s1, s28;
	[dreg:$0xa] =	wrdreg s31  }
0x10: {  	v2 =	vlaneseq.u32;
	s5 =	sadd.s32 $0x189200, s0;
	s29 =	sadd.s32 s8, s10;
	[dreg:$0x7] =	wrdreg s6  }
0x11: {  	vm0 =	vmmov $0xffff;
	v1 =	vshrl.u32 v2, $0x3;
	s7 =	smax.u32 s9, $0x1;
	s1 =	sadd.s32 s1, s30;
	[dreg:$0x8] =	wrdreg s29  }
0x12: {  	v0 =	vand.u32 $0x7, v2;
	v2 =	vor.u32 $0x8, v2;
	v1 =	vmul.u32 $0x8, v1;
	s8 =	simm.s32 $0x2;
	s6 =	sadd.s32 $0x189300, s0;
	[dreg:$0x9] =	wrdreg s1  }
.LBB2_1:
0x13: {  	s19 =	rddreg [dreg:$0x3]  }
0x14: {  	[tilespmem:s2], [sflag:$0x2] =	stream.linear.gather [hbm4b:s19+s2], $0x40, $0x38;
	[tilespmem:$0x10080] =	vst v63  }
0x15: {  	_ =	swait.ge [sflag:s8], $0x40  }
0x16: {  	[sflag:s8] =	ssyncset.done $0x0  }
0x17: {  	[sflag:s8] =	ssyncadd.s32 $0xFFFFFFC0  }
0x18: {  	v3 =	vld [tilespmem:$0x0];
	_ =	sdelay $0x4  }
0x19: {  	v4 =	vshll.u32 v3, $0x3  }
0x1a: {  	v3 =	vand.u32 $0x7, v3;
	v4 =	vand.u32 $0xFFFFFFC0, v4  }
0x1b: {  	v3 =	vor.u32 v3, v4  }
0x1c: {  	v4 =	vperm.xlane v3, v0;
	_ =	sdelay $0x1  }
0x1d: {  	v4 =	vadd.s32 v1, v4;
	_ =	sdelay $0x4  }
0x1e: {  	[tilespmem:s23], [sflag:$0x1] =	stream.indirect_vreg.gather [hbm4b:s3+s2], $0x80, v4, vm0, $0xb8;
	[tilespmem:$0x10080] =	vst v63  }
0x1f: {  	s0 =	simm.s32 $0x880;
	v3 =	vperm.xlane v3, v2  }
0x20: {  	[tilespmem:s0], [sflag:$0x1] =	stream.indirect_vreg.gather [hbm4b:s4+s2], $0x80, v4, vm0, $0xb8;
	[tilespmem:$0x10080] =	vst v63  }
0x21: {  	s12 =	simm.s32 $0x1080;
	v3 =	vadd.s32 v1, v3  }
0x22: {  	[tilespmem:s12], [sflag:$0x1] =	stream.indirect_vreg.gather [hbm4b:s5+s2], $0x80, v4, vm0, $0xb8;
	[tilespmem:$0x10080] =	vst v63  }
0x23: {  	s13 =	simm.s32 $0x1880  }
0x24: {  	[tilespmem:s13], [sflag:$0x1] =	stream.indirect_vreg.gather [hbm4b:s6+s2], $0x80, v4, vm0, $0xb8;
	[tilespmem:$0x10080] =	vst v63  }
0x25: {  	s15 =	simm.s32 $0x2080  }
0x26: {  	[tilespmem:s15], [sflag:$0x1] =	stream.indirect_vreg.gather [hbm4b:s3+s2], $0x80, v3, vm0, $0xb8;
	[tilespmem:$0x10080] =	vst v63  }
0x27: {  	s16 =	simm.s32 $0x2880  }
0x28: {  	[tilespmem:s16], [sflag:$0x1] =	stream.indirect_vreg.gather [hbm4b:s4+s2], $0x80, v3, vm0, $0xb8;
	[tilespmem:$0x10080] =	vst v63  }
0x29: {  	s17 =	simm.s32 $0x3080  }
0x2a: {  	[tilespmem:s17], [sflag:$0x1] =	stream.indirect_vreg.gather [hbm4b:s5+s2], $0x80, v3, vm0, $0xb8;
	[tilespmem:$0x10080] =	vst v63  }
0x2b: {  	s19 =	simm.s32 $0x3880  }
0x2c: {  	[tilespmem:s19], [sflag:$0x1] =	stream.indirect_vreg.gather [hbm4b:s6+s2], $0x80, v3, vm0, $0xb8;
	[tilespmem:$0x10080] =	vst v63  }
0x2d: {  	v3 =	vld [tilespmem:$0x10];
	_ =	sdelay $0x4  }
0x2e: {  	v49 =	vshll.u32 v3, $0x3  }
0x2f: {  	v3 =	vand.u32 $0x7, v3;
	v4 =	vand.u32 $0xFFFFFFC0, v49  }
0x30: {  	v3 =	vor.u32 v3, v4  }
0x31: {  	v4 =	vperm.xlane v3, v0;
	_ =	sdelay $0x1  }
0x32: {  	v4 =	vadd.s32 v1, v4;
	_ =	sdelay $0x3  }
0x33: {  	s20 =	simm.s32 $0x4080  }
0x34: {  	[tilespmem:s20], [sflag:$0x1] =	stream.indirect_vreg.gather [hbm4b:s3+s2], $0x80, v4, vm0, $0xb8;
	[tilespmem:$0x10080] =	vst v63  }
0x35: {  	s21 =	simm.s32 $0x4880;
	v3 =	vperm.xlane v3, v2  }
0x36: {  	[tilespmem:s21], [sflag:$0x1] =	stream.indirect_vreg.gather [hbm4b:s4+s2], $0x80, v4, vm0, $0xb8;
	[tilespmem:$0x10080] =	vst v63  }
0x37: {  	s22 =	simm.s32 $0x5080;
	v3 =	vadd.s32 v1, v3  }
0x38: {  	[tilespmem:s22], [sflag:$0x1] =	stream.indirect_vreg.gather [hbm4b:s5+s2], $0x80, v4, vm0, $0xb8;
	[tilespmem:$0x10080] =	vst v63  }
0x39: {  	s24 =	simm.s32 $0x5880  }
0x3a: {  	[tilespmem:s24], [sflag:$0x1] =	stream.indirect_vreg.gather [hbm4b:s6+s2], $0x80, v4, vm0, $0xb8;
	[tilespmem:$0x10080] =	vst v63  }
0x3b: {  	s25 =	simm.s32 $0x6080  }
0x3c: {  	[tilespmem:s25], [sflag:$0x1] =	stream.indirect_vreg.gather [hbm4b:s3+s2], $0x80, v3, vm0, $0xb8;
	[tilespmem:$0x10080] =	vst v63  }
0x3d: {  	s26 =	simm.s32 $0x6880  }
0x3e: {  	[tilespmem:s26], [sflag:$0x1] =	stream.indirect_vreg.gather [hbm4b:s4+s2], $0x80, v3, vm0, $0xb8;
	[tilespmem:$0x10080] =	vst v63  }
0x3f: {  	s28 =	simm.s32 $0x7080  }
0x40: {  	[tilespmem:s28], [sflag:$0x1] =	stream.indirect_vreg.gather [hbm4b:s5+s2], $0x80, v3, vm0, $0xb8;
	[tilespmem:$0x10080] =	vst v63  }
0x41: {  	s29 =	simm.s32 $0x7880  }
0x42: {  	[tilespmem:s29], [sflag:$0x1] =	stream.indirect_vreg.gather [hbm4b:s6+s2], $0x80, v3, vm0, $0xb8;
	[tilespmem:$0x10080] =	vst v63  }
0x43: {  	v3 =	vld [tilespmem:$0x20];
	_ =	sdelay $0x4  }
0x44: {  	v50 =	vshll.u32 v3, $0x3  }
0x45: {  	v3 =	vand.u32 $0x7, v3;
	v4 =	vand.u32 $0xFFFFFFC0, v50  }
0x46: {  	v3 =	vor.u32 v3, v4  }
0x47: {  	v4 =	vperm.xlane v3, v0;
	_ =	sdelay $0x1  }
0x48: {  	v4 =	vadd.s32 v1, v4;
	_ =	sdelay $0x3  }
0x49: {  	s30 =	simm.s32 $0x8080  }
0x4a: {  	[tilespmem:s30], [sflag:$0x1] =	stream.indirect_vreg.gather [hbm4b:s3+s2], $0x80, v4, vm0, $0xb8;
	[tilespmem:$0x10080] =	vst v63  }
0x4b: {  	s16 =	simm.s32 $0x8880;
	v3 =	vperm.xlane v3, v2  }
0x4c: {  	[tilespmem:s16], [sflag:$0x1] =	stream.indirect_vreg.gather [hbm4b:s4+s2], $0x80, v4, vm0, $0xb8;
	[tilespmem:$0x10080] =	vst v63  }
0x4d: {  	s17 =	simm.s32 $0x9080;
	v3 =	vadd.s32 v1, v3  }
0x4e: {  	[tilespmem:s17], [sflag:$0x1] =	stream.indirect_vreg.gather [hbm4b:s5+s2], $0x80, v4, vm0, $0xb8;
	[tilespmem:$0x10080] =	vst v63  }
0x4f: {  	s19 =	simm.s32 $0x9880  }
0x50: {  	[tilespmem:s19], [sflag:$0x1] =	stream.indirect_vreg.gather [hbm4b:s6+s2], $0x80, v4, vm0, $0xb8;
	[tilespmem:$0x10080] =	vst v63  }
0x51: {  	s20 =	simm.s32 $0xA080  }
0x52: {  	[tilespmem:s20], [sflag:$0x1] =	stream.indirect_vreg.gather [hbm4b:s3+s2], $0x80, v3, vm0, $0xb8;
	[tilespmem:$0x10080] =	vst v63  }
0x53: {  	s21 =	simm.s32 $0xA880  }
0x54: {  	[tilespmem:s21], [sflag:$0x1] =	stream.indirect_vreg.gather [hbm4b:s4+s2], $0x80, v3, vm0, $0xb8;
	[tilespmem:$0x10080] =	vst v63  }
0x55: {  	s22 =	simm.s32 $0xB080  }
0x56: {  	[tilespmem:s22], [sflag:$0x1] =	stream.indirect_vreg.gather [hbm4b:s5+s2], $0x80, v3, vm0, $0xb8;
	[tilespmem:$0x10080] =	vst v63  }
0x57: {  	s24 =	simm.s32 $0xB880  }
0x58: {  	[tilespmem:s24], [sflag:$0x1] =	stream.indirect_vreg.gather [hbm4b:s6+s2], $0x80, v3, vm0, $0xb8;
	[tilespmem:$0x10080] =	vst v63  }
0x59: {  	v3 =	vld [tilespmem:$0x30];
	_ =	sdelay $0x4  }
0x5a: {  	v51 =	vshll.u32 v3, $0x3  }
0x5b: {  	v3 =	vand.u32 $0x7, v3;
	v4 =	vand.u32 $0xFFFFFFC0, v51  }
0x5c: {  	v3 =	vor.u32 v3, v4  }
0x5d: {  	v4 =	vperm.xlane v3, v0;
	_ =	sdelay $0x1  }
0x5e: {  	v4 =	vadd.s32 v1, v4;
	_ =	sdelay $0x3  }
0x5f: {  	s25 =	simm.s32 $0xC080  }
0x60: {  	[tilespmem:s25], [sflag:$0x1] =	stream.indirect_vreg.gather [hbm4b:s3+s2], $0x80, v4, vm0, $0xb8;
	[tilespmem:$0x10080] =	vst v63  }
0x61: {  	s26 =	simm.s32 $0xC880;
	v3 =	vperm.xlane v3, v2  }
0x62: {  	[tilespmem:s26], [sflag:$0x1] =	stream.indirect_vreg.gather [hbm4b:s4+s2], $0x80, v4, vm0, $0xb8;
	[tilespmem:$0x10080] =	vst v63  }
0x63: {  	s29 =	simm.s32 $0xD080;
	v3 =	vadd.s32 v1, v3  }
0x64: {  	[tilespmem:s29], [sflag:$0x1] =	stream.indirect_vreg.gather [hbm4b:s5+s2], $0x80, v4, vm0, $0xb8;
	[tilespmem:$0x10080] =	vst v63  }
0x65: {  	s0 =	simm.s32 $0xD880  }
0x66: {  	[tilespmem:s0], [sflag:$0x1] =	stream.indirect_vreg.gather [hbm4b:s6+s2], $0x80, v4, vm0, $0xb8;
	[tilespmem:$0x10080] =	vst v63  }
0x67: {  	s16 =	simm.s32 $0xE080  }
0x68: {  	[tilespmem:s16], [sflag:$0x1] =	stream.indirect_vreg.gather [hbm4b:s3+s2], $0x80, v3, vm0, $0xb8;
	[tilespmem:$0x10080] =	vst v63  }
0x69: {  	s17 =	simm.s32 $0xE880  }
0x6a: {  	[tilespmem:s17], [sflag:$0x1] =	stream.indirect_vreg.gather [hbm4b:s4+s2], $0x80, v3, vm0, $0xb8;
	[tilespmem:$0x10080] =	vst v63  }
0x6b: {  	s24 =	simm.s32 $0xF080  }
0x6c: {  	[tilespmem:s24], [sflag:$0x1] =	stream.indirect_vreg.gather [hbm4b:s5+s2], $0x80, v3, vm0, $0xb8;
	[tilespmem:$0x10080] =	vst v63  }
0x6d: {  	s25 =	simm.s32 $0xF880  }
0x6e: {  	[tilespmem:s25], [sflag:$0x1] =	stream.indirect_vreg.gather [hbm4b:s6+s2], $0x80, v3, vm0, $0xb8;
	[tilespmem:$0x10080] =	vst v63  }
0x6f: {  	_ =	swait.ge [sflag:s18], $0x10000  }
0x70: {  	[sflag:s18] =	ssyncset.done $0x0  }
0x71: {  	s0 =	rddreg [dreg:$0x4];
	[sflag:s18] =	ssyncadd.s32 $0xFFFF0000  }
0x72: {  	[hbm4b:s0+s2] =	stream.linear.scatter [tilespmem:s23], [sflag:$0x2], $0x10000, $0x38;
	[tilespmem:$0x10080] =	vst v63  }
0x73: {  	_ =	swait.ge [sflag:s8], $0x10000  }
0x74: {  	[sflag:s8] =	ssyncset.done $0x0  }
0x75: {  	s16 =	rddreg [dreg:$0x5];
	[sflag:s8] =	ssyncadd.s32 $0xFFFF0000  }
0x76: {  	[tilespmem:s2], [sflag:$0x2] =	stream.linear.gather [hbm4b:s16+s2], $0x40, $0x38;
	[tilespmem:$0x10080] =	vst v63  }
0x77: {  	_ =	swait.ge [sflag:s8], $0x40  }
0x78: {  	[sflag:s8] =	ssyncset.done $0x0  }
0x79: {  	[sflag:s8] =	ssyncadd.s32 $0xFFFFFFC0  }
0x7a: {  	v3 =	vld [tilespmem:$0x0];
	_ =	sdelay $0x4  }
0x7b: {  	v52 =	vshll.u32 v3, $0x3  }
0x7c: {  	v3 =	vand.u32 $0x7, v3;
	v4 =	vand.u32 $0xFFFFFFC0, v52  }
0x7d: {  	v3 =	vor.u32 v3, v4  }
0x7e: {  	v4 =	vperm.xlane v3, v0;
	_ =	sdelay $0x1  }
0x7f: {  	v4 =	vadd.s32 v1, v4;
	_ =	sdelay $0x4  }
0x80: {  	[tilespmem:s23], [sflag:$0x1] =	stream.indirect_vreg.gather [hbm4b:s3+s2], $0x80, v4, vm0, $0xb8;
	[tilespmem:$0x10080] =	vst v63  }
0x81: {  	s14 =	simm.s32 $0x880;
	v3 =	vperm.xlane v3, v2  }
0x82: {  	[tilespmem:s14], [sflag:$0x1] =	stream.indirect_vreg.gather [hbm4b:s4+s2], $0x80, v4, vm0, $0xb8;
	[tilespmem:$0x10080] =	vst v63  }
0x83: {  	s1 =	simm.s32 $0x1080;
	v3 =	vadd.s32 v1, v3  }
0x84: {  	[tilespmem:s1], [sflag:$0x1] =	stream.indirect_vreg.gather [hbm4b:s5+s2], $0x80, v4, vm0, $0xb8;
	[tilespmem:$0x10080] =	vst v63  }
0x85: {  	s9 =	simm.s32 $0x1880  }
0x86: {  	[tilespmem:s9], [sflag:$0x1] =	stream.indirect_vreg.gather [hbm4b:s6+s2], $0x80, v4, vm0, $0xb8;
	[tilespmem:$0x10080] =	vst v63  }
0x87: {  	s10 =	simm.s32 $0x2080  }
0x88: {  	[tilespmem:s10], [sflag:$0x1] =	stream.indirect_vreg.gather [hbm4b:s3+s2], $0x80, v3, vm0, $0xb8;
	[tilespmem:$0x10080] =	vst v63  }
0x89: {  	s11 =	simm.s32 $0x2880  }
0x8a: {  	[tilespmem:s11], [sflag:$0x1] =	stream.indirect_vreg.gather [hbm4b:s4+s2], $0x80, v3, vm0, $0xb8;
	[tilespmem:$0x10080] =	vst v63  }
0x8b: {  	s12 =	simm.s32 $0x3080  }
0x8c: {  	[tilespmem:s12], [sflag:$0x1] =	stream.indirect_vreg.gather [hbm4b:s5+s2], $0x80, v3, vm0, $0xb8;
	[tilespmem:$0x10080] =	vst v63  }
0x8d: {  	s15 =	simm.s32 $0x3880  }
0x8e: {  	[tilespmem:s15], [sflag:$0x1] =	stream.indirect_vreg.gather [hbm4b:s6+s2], $0x80, v3, vm0, $0xb8;
	[tilespmem:$0x10080] =	vst v63  }
0x8f: {  	v3 =	vld [tilespmem:$0x10];
	_ =	sdelay $0x4  }
0x90: {  	v53 =	vshll.u32 v3, $0x3  }
0x91: {  	v3 =	vand.u32 $0x7, v3;
	v4 =	vand.u32 $0xFFFFFFC0, v53  }
0x92: {  	v3 =	vor.u32 v3, v4  }
0x93: {  	v4 =	vperm.xlane v3, v0;
	_ =	sdelay $0x1  }
0x94: {  	v4 =	vadd.s32 v1, v4;
	_ =	sdelay $0x3  }
0x95: {  	s16 =	simm.s32 $0x4080  }
0x96: {  	[tilespmem:s16], [sflag:$0x1] =	stream.indirect_vreg.gather [hbm4b:s3+s2], $0x80, v4, vm0, $0xb8;
	[tilespmem:$0x10080] =	vst v63  }
0x97: {  	s31 =	simm.s32 $0x4880;
	v3 =	vperm.xlane v3, v2  }
0x98: {  	[tilespmem:s31], [sflag:$0x1] =	stream.indirect_vreg.gather [hbm4b:s4+s2], $0x80, v4, vm0, $0xb8;
	[tilespmem:$0x10080] =	vst v63  }
0x99: {  	s13 =	simm.s32 $0x5080;
	v3 =	vadd.s32 v1, v3  }
0x9a: {  	[tilespmem:s13], [sflag:$0x1] =	stream.indirect_vreg.gather [hbm4b:s5+s2], $0x80, v4, vm0, $0xb8;
	[tilespmem:$0x10080] =	vst v63  }
0x9b: {  	s31 =	simm.s32 $0x5880  }
0x9c: {  	[tilespmem:s31], [sflag:$0x1] =	stream.indirect_vreg.gather [hbm4b:s6+s2], $0x80, v4, vm0, $0xb8;
	[tilespmem:$0x10080] =	vst v63  }
0x9d: {  	s0 =	simm.s32 $0x6080  }
0x9e: {  	[tilespmem:s0], [sflag:$0x1] =	stream.indirect_vreg.gather [hbm4b:s3+s2], $0x80, v3, vm0, $0xb8;
	[tilespmem:$0x10080] =	vst v63  }
0x9f: {  	s1 =	simm.s32 $0x6880  }
0xa0: {  	[tilespmem:s1], [sflag:$0x1] =	stream.indirect_vreg.gather [hbm4b:s4+s2], $0x80, v3, vm0, $0xb8;
	[tilespmem:$0x10080] =	vst v63  }
0xa1: {  	s9 =	simm.s32 $0x7080  }
0xa2: {  	[tilespmem:s9], [sflag:$0x1] =	stream.indirect_vreg.gather [hbm4b:s5+s2], $0x80, v3, vm0, $0xb8;
	[tilespmem:$0x10080] =	vst v63  }
0xa3: {  	s13 =	simm.s32 $0x7880  }
0xa4: {  	[tilespmem:s13], [sflag:$0x1] =	stream.indirect_vreg.gather [hbm4b:s6+s2], $0x80, v3, vm0, $0xb8;
	[tilespmem:$0x10080] =	vst v63  }
0xa5: {  	v3 =	vld [tilespmem:$0x20];
	_ =	sdelay $0x4  }
0xa6: {  	v54 =	vshll.u32 v3, $0x3  }
0xa7: {  	v3 =	vand.u32 $0x7, v3;
	v4 =	vand.u32 $0xFFFFFFC0, v54  }
0xa8: {  	v3 =	vor.u32 v3, v4  }
0xa9: {  	v4 =	vperm.xlane v3, v0;
	_ =	sdelay $0x1  }
0xaa: {  	v4 =	vadd.s32 v1, v4;
	_ =	sdelay $0x3  }
0xab: {  	s14 =	simm.s32 $0x8080  }
0xac: {  	[tilespmem:s14], [sflag:$0x1] =	stream.indirect_vreg.gather [hbm4b:s3+s2], $0x80, v4, vm0, $0xb8;
	[tilespmem:$0x10080] =	vst v63  }
0xad: {  	s15 =	simm.s32 $0x8880;
	v3 =	vperm.xlane v3, v2  }
0xae: {  	[tilespmem:s15], [sflag:$0x1] =	stream.indirect_vreg.gather [hbm4b:s4+s2], $0x80, v4, vm0, $0xb8;
	[tilespmem:$0x10080] =	vst v63  }
0xaf: {  	s10 =	simm.s32 $0x9080;
	v3 =	vadd.s32 v1, v3  }
0xb0: {  	[tilespmem:s10], [sflag:$0x1] =	stream.indirect_vreg.gather [hbm4b:s5+s2], $0x80, v4, vm0, $0xb8;
	[tilespmem:$0x10080] =	vst v63  }
0xb1: {  	s11 =	simm.s32 $0x9880  }
0xb2: {  	[tilespmem:s11], [sflag:$0x1] =	stream.indirect_vreg.gather [hbm4b:s6+s2], $0x80, v4, vm0, $0xb8;
	[tilespmem:$0x10080] =	vst v63  }
0xb3: {  	s12 =	simm.s32 $0xA080  }
0xb4: {  	[tilespmem:s12], [sflag:$0x1] =	stream.indirect_vreg.gather [hbm4b:s3+s2], $0x80, v3, vm0, $0xb8;
	[tilespmem:$0x10080] =	vst v63  }
0xb5: {  	s30 =	simm.s32 $0xA880  }
0xb6: {  	[tilespmem:s30], [sflag:$0x1] =	stream.indirect_vreg.gather [hbm4b:s4+s2], $0x80, v3, vm0, $0xb8;
	[tilespmem:$0x10080] =	vst v63  }
0xb7: {  	s28 =	simm.s32 $0xB080  }
0xb8: {  	[tilespmem:s28], [sflag:$0x1] =	stream.indirect_vreg.gather [hbm4b:s5+s2], $0x80, v3, vm0, $0xb8;
	[tilespmem:$0x10080] =	vst v63  }
0xb9: {  	s20 =	simm.s32 $0xB880  }
0xba: {  	[tilespmem:s20], [sflag:$0x1] =	stream.indirect_vreg.gather [hbm4b:s6+s2], $0x80, v3, vm0, $0xb8;
	[tilespmem:$0x10080] =	vst v63  }
0xbb: {  	v3 =	vld [tilespmem:$0x30];
	_ =	sdelay $0x4  }
0xbc: {  	v55 =	vshll.u32 v3, $0x3  }
0xbd: {  	v3 =	vand.u32 $0x7, v3;
	v4 =	vand.u32 $0xFFFFFFC0, v55  }
0xbe: {  	v3 =	vor.u32 v3, v4  }
0xbf: {  	v4 =	vperm.xlane v3, v0;
	_ =	sdelay $0x1  }
0xc0: {  	v4 =	vadd.s32 v1, v4;
	_ =	sdelay $0x3  }
0xc1: {  	s21 =	simm.s32 $0xC080  }
0xc2: {  	[tilespmem:s21], [sflag:$0x1] =	stream.indirect_vreg.gather [hbm4b:s3+s2], $0x80, v4, vm0, $0xb8;
	[tilespmem:$0x10080] =	vst v63  }
0xc3: {  	s22 =	simm.s32 $0xC880;
	v3 =	vperm.xlane v3, v2  }
0xc4: {  	[tilespmem:s22], [sflag:$0x1] =	stream.indirect_vreg.gather [hbm4b:s4+s2], $0x80, v4, vm0, $0xb8;
	[tilespmem:$0x10080] =	vst v63  }
0xc5: {  	v3 =	vadd.s32 v1, v3;
	s22 =	simm.s32 $0xD080  }
0xc6: {  	[tilespmem:s22], [sflag:$0x1] =	stream.indirect_vreg.gather [hbm4b:s5+s2], $0x80, v4, vm0, $0xb8;
	[tilespmem:$0x10080] =	vst v63  }
0xc7: {  	s26 =	simm.s32 $0xD880  }
0xc8: {  	[tilespmem:s26], [sflag:$0x1] =	stream.indirect_vreg.gather [hbm4b:s6+s2], $0x80, v4, vm0, $0xb8;
	[tilespmem:$0x10080] =	vst v63  }
0xc9: {  	s29 =	simm.s32 $0xE080  }
0xca: {  	[tilespmem:s29], [sflag:$0x1] =	stream.indirect_vreg.gather [hbm4b:s3+s2], $0x80, v3, vm0, $0xb8;
	[tilespmem:$0x10080] =	vst v63  }
0xcb: {  	s26 =	simm.s32 $0xE880  }
0xcc: {  	[tilespmem:s26], [sflag:$0x1] =	stream.indirect_vreg.gather [hbm4b:s4+s2], $0x80, v3, vm0, $0xb8;
	[tilespmem:$0x10080] =	vst v63  }
0xcd: {  	s30 =	simm.s32 $0xF080  }
0xce: {  	[tilespmem:s30], [sflag:$0x1] =	stream.indirect_vreg.gather [hbm4b:s5+s2], $0x80, v3, vm0, $0xb8;
	[tilespmem:$0x10080] =	vst v63  }
0xcf: {  	s17 =	simm.s32 $0xF880  }
0xd0: {  	[tilespmem:s17], [sflag:$0x1] =	stream.indirect_vreg.gather [hbm4b:s6+s2], $0x80, v3, vm0, $0xb8;
	[tilespmem:$0x10080] =	vst v63  }
0xd1: {  	_ =	swait.ge [sflag:s18], $0x10000  }
0xd2: {  	[sflag:s18] =	ssyncset.done $0x0  }
0xd3: {  	s21 =	rddreg [dreg:$0x6];
	[sflag:s18] =	ssyncadd.s32 $0xFFFF0000  }
0xd4: {  	[hbm4b:s21+s2] =	stream.linear.scatter [tilespmem:s23], [sflag:$0x2], $0x10000, $0x38;
	[tilespmem:$0x10080] =	vst v63  }
0xd5: {  	_ =	swait.ge [sflag:s8], $0x10000  }
0xd6: {  	[sflag:s8] =	ssyncset.done $0x0  }
0xd7: {  	s17 =	rddreg [dreg:$0x7];
	[sflag:s8] =	ssyncadd.s32 $0xFFFF0000  }
0xd8: {  	[tilespmem:s2], [sflag:$0x2] =	stream.linear.gather [hbm4b:s17+s2], $0x40, $0x38;
	[tilespmem:$0x10080] =	vst v63  }
0xd9: {  	_ =	swait.ge [sflag:s8], $0x40  }
0xda: {  	[sflag:s8] =	ssyncset.done $0x0  }
0xdb: {  	[sflag:s8] =	ssyncadd.s32 $0xFFFFFFC0  }
0xdc: {  	v3 =	vld [tilespmem:$0x0];
	_ =	sdelay $0x4  }
0xdd: {  	v56 =	vshll.u32 v3, $0x3  }
0xde: {  	v3 =	vand.u32 $0x7, v3;
	v4 =	vand.u32 $0xFFFFFFC0, v56  }
0xdf: {  	v3 =	vor.u32 v3, v4  }
0xe0: {  	v4 =	vperm.xlane v3, v0;
	_ =	sdelay $0x1  }
0xe1: {  	v4 =	vadd.s32 v1, v4;
	_ =	sdelay $0x4  }
0xe2: {  	[tilespmem:s23], [sflag:$0x1] =	stream.indirect_vreg.gather [hbm4b:s3+s2], $0x80, v4, vm0, $0xb8;
	[tilespmem:$0x10080] =	vst v63  }
0xe3: {  	s21 =	simm.s32 $0x880;
	v3 =	vperm.xlane v3, v2  }
0xe4: {  	[tilespmem:s21], [sflag:$0x1] =	stream.indirect_vreg.gather [hbm4b:s4+s2], $0x80, v4, vm0, $0xb8;
	[tilespmem:$0x10080] =	vst v63  }
0xe5: {  	s25 =	simm.s32 $0x1080;
	v3 =	vadd.s32 v1, v3  }
0xe6: {  	[tilespmem:s25], [sflag:$0x1] =	stream.indirect_vreg.gather [hbm4b:s5+s2], $0x80, v4, vm0, $0xb8;
	[tilespmem:$0x10080] =	vst v63  }
0xe7: {  	s25 =	simm.s32 $0x1880  }
0xe8: {  	[tilespmem:s25], [sflag:$0x1] =	stream.indirect_vreg.gather [hbm4b:s6+s2], $0x80, v4, vm0, $0xb8;
	[tilespmem:$0x10080] =	vst v63  }
0xe9: {  	s19 =	simm.s32 $0x2080  }
0xea: {  	[tilespmem:s19], [sflag:$0x1] =	stream.indirect_vreg.gather [hbm4b:s3+s2], $0x80, v3, vm0, $0xb8;
	[tilespmem:$0x10080] =	vst v63  }
0xeb: {  	s25 =	simm.s32 $0x2880  }
0xec: {  	[tilespmem:s25], [sflag:$0x1] =	stream.indirect_vreg.gather [hbm4b:s4+s2], $0x80, v3, vm0, $0xb8;
	[tilespmem:$0x10080] =	vst v63  }
0xed: {  	s19 =	simm.s32 $0x3080  }
0xee: {  	[tilespmem:s19], [sflag:$0x1] =	stream.indirect_vreg.gather [hbm4b:s5+s2], $0x80, v3, vm0, $0xb8;
	[tilespmem:$0x10080] =	vst v63  }
0xef: {  	s25 =	simm.s32 $0x3880  }
0xf0: {  	[tilespmem:s25], [sflag:$0x1] =	stream.indirect_vreg.gather [hbm4b:s6+s2], $0x80, v3, vm0, $0xb8;
	[tilespmem:$0x10080] =	vst v63  }
0xf1: {  	v3 =	vld [tilespmem:$0x10];
	_ =	sdelay $0x4  }
0xf2: {  	v57 =	vshll.u32 v3, $0x3  }
0xf3: {  	v3 =	vand.u32 $0x7, v3;
	v4 =	vand.u32 $0xFFFFFFC0, v57  }
0xf4: {  	v3 =	vor.u32 v3, v4  }
0xf5: {  	v4 =	vperm.xlane v3, v0;
	_ =	sdelay $0x1  }
0xf6: {  	v4 =	vadd.s32 v1, v4;
	_ =	sdelay $0x4  }
0xf7: {  	[tilespmem:s16], [sflag:$0x1] =	stream.indirect_vreg.gather [hbm4b:s3+s2], $0x80, v4, vm0, $0xb8;
	[tilespmem:$0x10080] =	vst v63  }
0xf8: {  	s19 =	simm.s32 $0x4880;
	v3 =	vperm.xlane v3, v2  }
0xf9: {  	[tilespmem:s19], [sflag:$0x1] =	stream.indirect_vreg.gather [hbm4b:s4+s2], $0x80, v4, vm0, $0xb8;
	[tilespmem:$0x10080] =	vst v63  }
0xfa: {  	s25 =	simm.s32 $0x5080;
	v3 =	vadd.s32 v1, v3  }
0xfb: {  	[tilespmem:s25], [sflag:$0x1] =	stream.indirect_vreg.gather [hbm4b:s5+s2], $0x80, v4, vm0, $0xb8;
	[tilespmem:$0x10080] =	vst v63  }
0xfc: {  	_ = 	snop  }
0xfd: {  	[tilespmem:s31], [sflag:$0x1] =	stream.indirect_vreg.gather [hbm4b:s6+s2], $0x80, v4, vm0, $0xb8;
	[tilespmem:$0x10080] =	vst v63  }
0xfe: {  	_ = 	snop  }
0xff: {  	[tilespmem:s0], [sflag:$0x1] =	stream.indirect_vreg.gather [hbm4b:s3+s2], $0x80, v3, vm0, $0xb8;
	[tilespmem:$0x10080] =	vst v63  }
0x100: {  	_ = 	snop  }
0x101: {  	[tilespmem:s1], [sflag:$0x1] =	stream.indirect_vreg.gather [hbm4b:s4+s2], $0x80, v3, vm0, $0xb8;
	[tilespmem:$0x10080] =	vst v63  }
0x102: {  	_ = 	snop  }
0x103: {  	[tilespmem:s9], [sflag:$0x1] =	stream.indirect_vreg.gather [hbm4b:s5+s2], $0x80, v3, vm0, $0xb8;
	[tilespmem:$0x10080] =	vst v63  }
0x104: {  	_ = 	snop  }
0x105: {  	[tilespmem:s13], [sflag:$0x1] =	stream.indirect_vreg.gather [hbm4b:s6+s2], $0x80, v3, vm0, $0xb8;
	[tilespmem:$0x10080] =	vst v63  }
0x106: {  	v3 =	vld [tilespmem:$0x20];
	_ =	sdelay $0x4  }
0x107: {  	v58 =	vshll.u32 v3, $0x3  }
0x108: {  	v3 =	vand.u32 $0x7, v3;
	v4 =	vand.u32 $0xFFFFFFC0, v58  }
0x109: {  	v3 =	vor.u32 v3, v4  }
0x10a: {  	v4 =	vperm.xlane v3, v0;
	_ =	sdelay $0x1  }
0x10b: {  	v4 =	vadd.s32 v1, v4;
	_ =	sdelay $0x4  }
0x10c: {  	[tilespmem:s14], [sflag:$0x1] =	stream.indirect_vreg.gather [hbm4b:s3+s2], $0x80, v4, vm0, $0xb8;
	[tilespmem:$0x10080] =	vst v63  }
0x10d: {  	v3 =	vperm.xlane v3, v2  }
0x10e: {  	[tilespmem:s15], [sflag:$0x1] =	stream.indirect_vreg.gather [hbm4b:s4+s2], $0x80, v4, vm0, $0xb8;
	[tilespmem:$0x10080] =	vst v63  }
0x10f: {  	v3 =	vadd.s32 v1, v3  }
0x110: {  	[tilespmem:s10], [sflag:$0x1] =	stream.indirect_vreg.gather [hbm4b:s5+s2], $0x80, v4, vm0, $0xb8;
	[tilespmem:$0x10080] =	vst v63  }
0x111: {  	_ = 	snop  }
0x112: {  	[tilespmem:s11], [sflag:$0x1] =	stream.indirect_vreg.gather [hbm4b:s6+s2], $0x80, v4, vm0, $0xb8;
	[tilespmem:$0x10080] =	vst v63  }
0x113: {  	_ = 	snop  }
0x114: {  	[tilespmem:s12], [sflag:$0x1] =	stream.indirect_vreg.gather [hbm4b:s3+s2], $0x80, v3, vm0, $0xb8;
	[tilespmem:$0x10080] =	vst v63  }
0x115: {  	s24 =	simm.s32 $0xA880  }
0x116: {  	[tilespmem:s24], [sflag:$0x1] =	stream.indirect_vreg.gather [hbm4b:s4+s2], $0x80, v3, vm0, $0xb8;
	[tilespmem:$0x10080] =	vst v63  }
0x117: {  	s28 =	simm.s32 $0xB080  }
0x118: {  	[tilespmem:s28], [sflag:$0x1] =	stream.indirect_vreg.gather [hbm4b:s5+s2], $0x80, v3, vm0, $0xb8;
	[tilespmem:$0x10080] =	vst v63  }
0x119: {  	s28 =	simm.s32 $0xB880  }
0x11a: {  	[tilespmem:s28], [sflag:$0x1] =	stream.indirect_vreg.gather [hbm4b:s6+s2], $0x80, v3, vm0, $0xb8;
	[tilespmem:$0x10080] =	vst v63  }
0x11b: {  	v3 =	vld [tilespmem:$0x30];
	_ =	sdelay $0x4  }
0x11c: {  	v59 =	vshll.u32 v3, $0x3  }
0x11d: {  	v3 =	vand.u32 $0x7, v3;
	v4 =	vand.u32 $0xFFFFFFC0, v59  }
0x11e: {  	v3 =	vor.u32 v3, v4  }
0x11f: {  	v4 =	vperm.xlane v3, v0;
	_ =	sdelay $0x1  }
0x120: {  	v4 =	vadd.s32 v1, v4;
	_ =	sdelay $0x3  }
0x121: {  	s24 =	simm.s32 $0xC080  }
0x122: {  	[tilespmem:s24], [sflag:$0x1] =	stream.indirect_vreg.gather [hbm4b:s3+s2], $0x80, v4, vm0, $0xb8;
	[tilespmem:$0x10080] =	vst v63  }
0x123: {  	s25 =	simm.s32 $0xC880;
	v3 =	vperm.xlane v3, v2  }
0x124: {  	[tilespmem:s25], [sflag:$0x1] =	stream.indirect_vreg.gather [hbm4b:s4+s2], $0x80, v4, vm0, $0xb8;
	[tilespmem:$0x10080] =	vst v63  }
0x125: {  	s20 =	simm.s32 $0xD080;
	v3 =	vadd.s32 v1, v3  }
0x126: {  	[tilespmem:s20], [sflag:$0x1] =	stream.indirect_vreg.gather [hbm4b:s5+s2], $0x80, v4, vm0, $0xb8;
	[tilespmem:$0x10080] =	vst v63  }
0x127: {  	s22 =	simm.s32 $0xD880  }
0x128: {  	[tilespmem:s22], [sflag:$0x1] =	stream.indirect_vreg.gather [hbm4b:s6+s2], $0x80, v4, vm0, $0xb8;
	[tilespmem:$0x10080] =	vst v63  }
0x129: {  	s29 =	simm.s32 $0xE080  }
0x12a: {  	[tilespmem:s29], [sflag:$0x1] =	stream.indirect_vreg.gather [hbm4b:s3+s2], $0x80, v3, vm0, $0xb8;
	[tilespmem:$0x10080] =	vst v63  }
0x12b: {  	s26 =	simm.s32 $0xE880  }
0x12c: {  	[tilespmem:s26], [sflag:$0x1] =	stream.indirect_vreg.gather [hbm4b:s4+s2], $0x80, v3, vm0, $0xb8;
	[tilespmem:$0x10080] =	vst v63  }
0x12d: {  	s30 =	simm.s32 $0xF080  }
0x12e: {  	[tilespmem:s30], [sflag:$0x1] =	stream.indirect_vreg.gather [hbm4b:s5+s2], $0x80, v3, vm0, $0xb8;
	[tilespmem:$0x10080] =	vst v63  }
0x12f: {  	s26 =	simm.s32 $0xF880  }
0x130: {  	[tilespmem:s26], [sflag:$0x1] =	stream.indirect_vreg.gather [hbm4b:s6+s2], $0x80, v3, vm0, $0xb8;
	[tilespmem:$0x10080] =	vst v63  }
0x131: {  	_ =	swait.ge [sflag:s18], $0x10000  }
0x132: {  	[sflag:s18] =	ssyncset.done $0x0  }
0x133: {  	s29 =	rddreg [dreg:$0x8];
	[sflag:s18] =	ssyncadd.s32 $0xFFFF0000  }
0x134: {  	[hbm4b:s29+s2] =	stream.linear.scatter [tilespmem:s23], [sflag:$0x2], $0x10000, $0x38;
	[tilespmem:$0x10080] =	vst v63  }
0x135: {  	_ =	swait.ge [sflag:s8], $0x10000  }
0x136: {  	[sflag:s8] =	ssyncset.done $0x0  }
0x137: {  	s30 =	rddreg [dreg:$0x9];
	[sflag:s8] =	ssyncadd.s32 $0xFFFF0000  }
0x138: {  	[tilespmem:s2], [sflag:$0x2] =	stream.linear.gather [hbm4b:s30+s2], $0x40, $0x38;
	[tilespmem:$0x10080] =	vst v63  }
0x139: {  	_ =	swait.ge [sflag:s8], $0x40  }
0x13a: {  	[sflag:s8] =	ssyncset.done $0x0  }
0x13b: {  	[sflag:s8] =	ssyncadd.s32 $0xFFFFFFC0  }
0x13c: {  	v3 =	vld [tilespmem:$0x0];
	_ =	sdelay $0x4  }
0x13d: {  	v60 =	vshll.u32 v3, $0x3  }
0x13e: {  	v3 =	vand.u32 $0x7, v3;
	v4 =	vand.u32 $0xFFFFFFC0, v60  }
0x13f: {  	v3 =	vor.u32 v3, v4  }
0x140: {  	v4 =	vperm.xlane v3, v0;
	_ =	sdelay $0x1  }
0x141: {  	v4 =	vadd.s32 v1, v4;
	_ =	sdelay $0x4  }
0x142: {  	[tilespmem:s23], [sflag:$0x1] =	stream.indirect_vreg.gather [hbm4b:s3+s2], $0x80, v4, vm0, $0xb8;
	[tilespmem:$0x10080] =	vst v63  }
0x143: {  	s29 =	simm.s32 $0x880;
	v3 =	vperm.xlane v3, v2  }
0x144: {  	[tilespmem:s29], [sflag:$0x1] =	stream.indirect_vreg.gather [hbm4b:s4+s2], $0x80, v4, vm0, $0xb8;
	[tilespmem:$0x10080] =	vst v63  }
0x145: {  	s21 =	simm.s32 $0x1080;
	v3 =	vadd.s32 v1, v3  }
0x146: {  	[tilespmem:s21], [sflag:$0x1] =	stream.indirect_vreg.gather [hbm4b:s5+s2], $0x80, v4, vm0, $0xb8;
	[tilespmem:$0x10080] =	vst v63  }
0x147: {  	s30 =	simm.s32 $0x1880  }
0x148: {  	[tilespmem:s30], [sflag:$0x1] =	stream.indirect_vreg.gather [hbm4b:s6+s2], $0x80, v4, vm0, $0xb8;
	[tilespmem:$0x10080] =	vst v63  }
0x149: {  	s21 =	simm.s32 $0x2080  }
0x14a: {  	[tilespmem:s21], [sflag:$0x1] =	stream.indirect_vreg.gather [hbm4b:s3+s2], $0x80, v3, vm0, $0xb8;
	[tilespmem:$0x10080] =	vst v63  }
0x14b: {  	s29 =	simm.s32 $0x2880  }
0x14c: {  	[tilespmem:s29], [sflag:$0x1] =	stream.indirect_vreg.gather [hbm4b:s4+s2], $0x80, v3, vm0, $0xb8;
	[tilespmem:$0x10080] =	vst v63  }
0x14d: {  	s30 =	simm.s32 $0x3080  }
0x14e: {  	[tilespmem:s30], [sflag:$0x1] =	stream.indirect_vreg.gather [hbm4b:s5+s2], $0x80, v3, vm0, $0xb8;
	[tilespmem:$0x10080] =	vst v63  }
0x14f: {  	s21 =	simm.s32 $0x3880  }
0x150: {  	[tilespmem:s21], [sflag:$0x1] =	stream.indirect_vreg.gather [hbm4b:s6+s2], $0x80, v3, vm0, $0xb8;
	[tilespmem:$0x10080] =	vst v63  }
0x151: {  	v3 =	vld [tilespmem:$0x10];
	_ =	sdelay $0x4  }
0x152: {  	v61 =	vshll.u32 v3, $0x3  }
0x153: {  	v3 =	vand.u32 $0x7, v3;
	v4 =	vand.u32 $0xFFFFFFC0, v61  }
0x154: {  	v3 =	vor.u32 v3, v4  }
0x155: {  	v4 =	vperm.xlane v3, v0;
	_ =	sdelay $0x1  }
0x156: {  	v4 =	vadd.s32 v1, v4;
	_ =	sdelay $0x3  }
0x157: {  	s16 =	simm.s32 $0x4080  }
0x158: {  	[tilespmem:s16], [sflag:$0x1] =	stream.indirect_vreg.gather [hbm4b:s3+s2], $0x80, v4, vm0, $0xb8;
	[tilespmem:$0x10080] =	vst v63  }
0x159: {  	s29 =	simm.s32 $0x4880;
	v3 =	vperm.xlane v3, v2  }
0x15a: {  	[tilespmem:s29], [sflag:$0x1] =	stream.indirect_vreg.gather [hbm4b:s4+s2], $0x80, v4, vm0, $0xb8;
	[tilespmem:$0x10080] =	vst v63  }
0x15b: {  	s30 =	simm.s32 $0x5080;
	v3 =	vadd.s32 v1, v3  }
0x15c: {  	[tilespmem:s30], [sflag:$0x1] =	stream.indirect_vreg.gather [hbm4b:s5+s2], $0x80, v4, vm0, $0xb8;
	[tilespmem:$0x10080] =	vst v63  }
0x15d: {  	s17 =	simm.s32 $0x5880  }
0x15e: {  	[tilespmem:s17], [sflag:$0x1] =	stream.indirect_vreg.gather [hbm4b:s6+s2], $0x80, v4, vm0, $0xb8;
	[tilespmem:$0x10080] =	vst v63  }
0x15f: {  	s0 =	simm.s32 $0x6080  }
0x160: {  	[tilespmem:s0], [sflag:$0x1] =	stream.indirect_vreg.gather [hbm4b:s3+s2], $0x80, v3, vm0, $0xb8;
	[tilespmem:$0x10080] =	vst v63  }
0x161: {  	s1 =	simm.s32 $0x6880  }
0x162: {  	[tilespmem:s1], [sflag:$0x1] =	stream.indirect_vreg.gather [hbm4b:s4+s2], $0x80, v3, vm0, $0xb8;
	[tilespmem:$0x10080] =	vst v63  }
0x163: {  	s9 =	simm.s32 $0x7080  }
0x164: {  	[tilespmem:s9], [sflag:$0x1] =	stream.indirect_vreg.gather [hbm4b:s5+s2], $0x80, v3, vm0, $0xb8;
	[tilespmem:$0x10080] =	vst v63  }
0x165: {  	s13 =	simm.s32 $0x7880  }
0x166: {  	[tilespmem:s13], [sflag:$0x1] =	stream.indirect_vreg.gather [hbm4b:s6+s2], $0x80, v3, vm0, $0xb8;
	[tilespmem:$0x10080] =	vst v63  }
0x167: {  	v3 =	vld [tilespmem:$0x20];
	_ =	sdelay $0x4  }
0x168: {  	v62 =	vshll.u32 v3, $0x3  }
0x169: {  	v3 =	vand.u32 $0x7, v3;
	v4 =	vand.u32 $0xFFFFFFC0, v62  }
0x16a: {  	v3 =	vor.u32 v3, v4  }
0x16b: {  	v4 =	vperm.xlane v3, v0;
	_ =	sdelay $0x1  }
0x16c: {  	v4 =	vadd.s32 v1, v4;
	_ =	sdelay $0x3  }
0x16d: {  	s14 =	simm.s32 $0x8080  }
0x16e: {  	[tilespmem:s14], [sflag:$0x1] =	stream.indirect_vreg.gather [hbm4b:s3+s2], $0x80, v4, vm0, $0xb8;
	[tilespmem:$0x10080] =	vst v63  }
0x16f: {  	s15 =	simm.s32 $0x8880;
	v3 =	vperm.xlane v3, v2  }
0x170: {  	[tilespmem:s15], [sflag:$0x1] =	stream.indirect_vreg.gather [hbm4b:s4+s2], $0x80, v4, vm0, $0xb8;
	[tilespmem:$0x10080] =	vst v63  }
0x171: {  	s10 =	simm.s32 $0x9080;
	v3 =	vadd.s32 v1, v3  }
0x172: {  	[tilespmem:s10], [sflag:$0x1] =	stream.indirect_vreg.gather [hbm4b:s5+s2], $0x80, v4, vm0, $0xb8;
	[tilespmem:$0x10080] =	vst v63  }
0x173: {  	s11 =	simm.s32 $0x9880  }
0x174: {  	[tilespmem:s11], [sflag:$0x1] =	stream.indirect_vreg.gather [hbm4b:s6+s2], $0x80, v4, vm0, $0xb8;
	[tilespmem:$0x10080] =	vst v63  }
0x175: {  	s12 =	simm.s32 $0xA080  }
0x176: {  	[tilespmem:s12], [sflag:$0x1] =	stream.indirect_vreg.gather [hbm4b:s3+s2], $0x80, v3, vm0, $0xb8;
	[tilespmem:$0x10080] =	vst v63  }
0x177: {  	s31 =	simm.s32 $0xA880  }
0x178: {  	[tilespmem:s31], [sflag:$0x1] =	stream.indirect_vreg.gather [hbm4b:s4+s2], $0x80, v3, vm0, $0xb8;
	[tilespmem:$0x10080] =	vst v63  }
0x179: {  	s19 =	simm.s32 $0xB080  }
0x17a: {  	[tilespmem:s19], [sflag:$0x1] =	stream.indirect_vreg.gather [hbm4b:s5+s2], $0x80, v3, vm0, $0xb8;
	[tilespmem:$0x10080] =	vst v63  }
0x17b: {  	s21 =	simm.s32 $0xB880  }
0x17c: {  	[tilespmem:s21], [sflag:$0x1] =	stream.indirect_vreg.gather [hbm4b:s6+s2], $0x80, v3, vm0, $0xb8;
	[tilespmem:$0x10080] =	vst v63  }
0x17d: {  	v3 =	vld [tilespmem:$0x30];
	_ =	sdelay $0x4  }
0x17e: {  	v63 =	vshll.u32 v3, $0x3  }
0x17f: {  	v3 =	vand.u32 $0x7, v3;
	v4 =	vand.u32 $0xFFFFFFC0, v63  }
0x180: {  	v3 =	vor.u32 v3, v4  }
0x181: {  	v4 =	vperm.xlane v3, v0;
	_ =	sdelay $0x1  }
0x182: {  	v4 =	vadd.s32 v1, v4;
	_ =	sdelay $0x3  }
0x183: {  	s29 =	simm.s32 $0xC080  }
0x184: {  	[tilespmem:s29], [sflag:$0x1] =	stream.indirect_vreg.gather [hbm4b:s3+s2], $0x80, v4, vm0, $0xb8;
	[tilespmem:$0x10080] =	vst v63  }
0x185: {  	s30 =	simm.s32 $0xC880;
	v3 =	vperm.xlane v3, v2  }
0x186: {  	[tilespmem:s30], [sflag:$0x1] =	stream.indirect_vreg.gather [hbm4b:s4+s2], $0x80, v4, vm0, $0xb8;
	[tilespmem:$0x10080] =	vst v63  }
0x187: {  	s28 =	simm.s32 $0xD080;
	v3 =	vadd.s32 v1, v3  }
0x188: {  	[tilespmem:s28], [sflag:$0x1] =	stream.indirect_vreg.gather [hbm4b:s5+s2], $0x80, v4, vm0, $0xb8;
	[tilespmem:$0x10080] =	vst v63  }
0x189: {  	s20 =	simm.s32 $0xD880  }
0x18a: {  	[tilespmem:s20], [sflag:$0x1] =	stream.indirect_vreg.gather [hbm4b:s6+s2], $0x80, v4, vm0, $0xb8;
	[tilespmem:$0x10080] =	vst v63  }
0x18b: {  	s24 =	simm.s32 $0xE080  }
0x18c: {  	[tilespmem:s24], [sflag:$0x1] =	stream.indirect_vreg.gather [hbm4b:s3+s2], $0x80, v3, vm0, $0xb8;
	[tilespmem:$0x10080] =	vst v63  }
0x18d: {  	s22 =	simm.s32 $0xE880  }
0x18e: {  	[tilespmem:s22], [sflag:$0x1] =	stream.indirect_vreg.gather [hbm4b:s4+s2], $0x80, v3, vm0, $0xb8;
	[tilespmem:$0x10080] =	vst v63  }
0x18f: {  	s25 =	simm.s32 $0xF080  }
0x190: {  	[tilespmem:s25], [sflag:$0x1] =	stream.indirect_vreg.gather [hbm4b:s5+s2], $0x80, v3, vm0, $0xb8;
	[tilespmem:$0x10080] =	vst v63  }
0x191: {  	s26 =	simm.s32 $0xF880  }
0x192: {  	[tilespmem:s26], [sflag:$0x1] =	stream.indirect_vreg.gather [hbm4b:s6+s2], $0x80, v3, vm0, $0xb8;
	[tilespmem:$0x10080] =	vst v63  }
0x193: {  	_ =	swait.ge [sflag:s18], $0x10000  }
0x194: {  	p0 =	sne.s32 s7, $0x1;
	[sflag:s18] =	ssyncset.done $0x0  }
.Ltmp0:
0x195: {  	s31 =	rddreg [dreg:$0xa];
	[sflag:s18] =	ssyncadd.s32 $0xFFFF0000;
	(pc) =	sbr.rel @p0 .LBB2_1-.Ltmp0, $4  }
0x196: {  	[hbm4b:s31+s2] =	stream.linear.scatter [tilespmem:s23], [sflag:$0x2], $0x10000, $0x38;
	[tilespmem:$0x10080] =	vst v63  }
0x197: {  	_ =	swait.ge [sflag:s8], $0x10000  }
0x198: {  	[sflag:s8] =	ssyncset.done $0x0  }
0x199: {  	s7 =	sadd.s32 $0xFFFFFFFF, s7;
	[sflag:s8] =	ssyncadd.s32 $0xFFFF0000  }
0x19a: {  	_ =	sfence.sel $0x180000  }
0x19b: {  	[bflag:$0x0] =	sbarrier.arrive $0xFFFF  }
0x19c: {  	_ =	strace $0x90000047  }
0x19d: {  	s0 =	stileid.u32;
	[bflag:$0x2] =	sbarrier.arrive $0xFFFF  }
0x19e: {  	p0 =	sne.s32 s0, $0x0;
	s0 =	rddreg [dreg:$0x2]  }
0x19f: {  	s0 =	sadd.s32 @!p0 $0x100000, s0  }
0x1a0: {  	[sflag:s0] =	ssyncadd.tile.s32 @!p0 $0x1;
	_ =	shalt  }
.Lfunc_end2:
_tile_overlayer_lowered:
.L_overlay_start_2:
0x1a1: {  	(tag) =	ssettag $0x2  }
0x1a2: {  	s0 =	rddreg [dreg:$0x0];
	s2 =	stileid.u32  }
0x1a3: {  	s1 =	rddreg [dreg:$0x1];
	p0 =	sne.s32 s2, $0x0  }
0x1a4: {  	s3 =	rddreg [dreg:$0x2];
	[bflag:$0x3] =	sbarrier.arrive $0xFFFF;
	s2 =	simm.s32 @!p0 $0x1C02  }
0x1a5: {  	[timem:s3], [sflag:s2] =	dma.local @!p0 [hbm:s0], s1  }
0x1a6: {  	s0 =	simm.s32 @!p0 $0x2  }
0x1a7: {  	_ =	swait.ge @!p0 [sflag:s0], s1  }
0x1a8: {  	s1 =	ssub.s32 @!p0 $0x0, s1;
	[sflag:s0] =	ssyncset.done @!p0 $0x0  }
0x1a9: {  	[sflag:s0] =	ssyncadd.s32 @!p0 s1  }
0x1aa: {  	[bflag:$0x3] =	sbarrier.arrive $0xFFFF  }
0x1ab: {  	_ =	shalt  }

</sc_bundles>
